<compile_context>
chip_gen: v7x
topology: tpu7x:2x2x1
jax: 0.10.2.dev20260603
libtpu: 0.0.44.dev20260713+nightly
codegen_flags: <defaults>
</compile_context>

<pallas_src>
import functools

import jax
import jax.numpy as jnp
from jax import lax
from jax.experimental import pallas as pl
from jax.experimental.pallas import tpu as pltpu
from jax.experimental.pallas import tpu_sc as plsc

_B = 256
_H = 48
_W = 48
_P = _H * _W
_NIDS = 1000
_NPAD = 1008
_NEG = -1e9



_SL = 18
_LN = 128


def _dense_body(mapf_ref, unitf_ref, factf_ref, loc1_ref,
                vfact_ref, vmove_ref, vtrans_ref, vpick_ref, vdig_ref,
                vsd_ref, vrech_ref, vdn_ref,
                w_au_ref, b_au_ref, w_fact_ref, b_fact_ref,
                ulogp_ref, uent_ref, critic_ref, ids_ref,
                factmap_ref, uactmap_ref):
    f32 = jnp.float32

    def _tree(items, op):
        while len(items) > 1:
            nxt = [op(items[i], items[i + 1])
                   for i in range(0, len(items) - 1, 2)]
            if len(items) % 2:
                nxt.append(items[-1])
            items = nxt
        return items[0]

    def anyi(ref):
        x = ref[0]
        return _tree([x[c] for c in range(x.shape[0])],
                     lambda a, b: a | b)

    ui = [anyi(vmove_ref), anyi(vtrans_ref), anyi(vpick_ref), anyi(vdig_ref),
          vsd_ref[0, 0], anyi(vrech_ref), vdn_ref[0, 0]]
    ua = [u.astype(jnp.int32) != 0 for u in ui]
    umask = _tree(ui, lambda a, b: a | b).astype(jnp.int32) != 0

    val = [mapf_ref[0, 0], mapf_ref[0, 1],
           unitf_ref[0, 0], unitf_ref[0, 1], unitf_ref[0, 2]]

    def head(w_ref, b_ref, feats, k):
        acc = feats[0] * w_ref[k, 0]
        for c in range(1, len(feats)):
            acc = acc + feats[c] * w_ref[k, c]
        return acc + b_ref[k]

    neg = [jnp.where(ua[k], head(w_au_ref, b_au_ref, val, k), _NEG)
           for k in range(7)]
    m = _tree(list(neg), jnp.maximum)
    e = [jnp.exp(neg[k] - m) for k in range(7)]
    s = _tree(list(e), lambda a, b: a + b)
    logs = jnp.log(s)
    inv = 1.0 / s
    mls = m + logs
    ent_terms = [jnp.where(ua[k], (e[k] * inv) * (neg[k] - mls), 0.0)
                 for k in range(7)]
    ent = -_tree(ent_terms, lambda a, b: a + b)
    def amax(a, b):
        gt = b[0] > a[0]
        return jnp.maximum(a[0], b[0]), jnp.where(gt, b[1], a[1])

    _, act = _tree([(neg[k], jnp.int32(k)) for k in range(7)], amax)
    act = jnp.broadcast_to(act, (_SL, _LN))
    critic = head(w_au_ref, b_au_ref, val, 7)

    fva = [vfact_ref[0, k].astype(jnp.int32) != 0 for k in range(4)]
    fmask = ((vfact_ref[0, 0] | vfact_ref[0, 1] | vfact_ref[0, 2]
              | vfact_ref[0, 3]).astype(jnp.int32) != 0)
    ffeat = [factf_ref[0, c] for c in range(6)]
    fneg = [jnp.where(fva[k], head(w_fact_ref, b_fact_ref, ffeat, k), _NEG)
            for k in range(4)]
    _, fact = _tree([(fneg[k], jnp.int32(k)) for k in range(4)], amax)
    fact = jnp.broadcast_to(fact, (_SL, _LN))

    sid = jnp.where(umask, loc1_ref[0, 0] + 10, _NIDS)

    ulogp_ref[0, 0] = -logs
    uent_ref[0, 0] = ent
    critic_ref[0, 0] = critic
    ids_ref[0, 0] = sid
    factmap_ref[0, 0] = jnp.where(fmask, fact.astype(f32), 0.0)
    z = jnp.zeros((_SL, _LN), f32)
    uactmap_ref[0, 0] = jnp.where(umask, act.astype(f32), 0.0)
    uactmap_ref[0, 1] = z
    uactmap_ref[0, 2] = z
    uactmap_ref[0, 3] = z
    uactmap_ref[0, 4] = z
    uactmap_ref[0, 5] = jnp.where(umask, 1.0, 0.0)


def _chan_spec(c):
    return pl.BlockSpec((1, c, _SL, _LN), lambda b: (b, 0, 0, 0))


def _smem_spec(shape):
    return pl.BlockSpec(shape, lambda b: tuple(0 for _ in shape),
                        memory_space=pltpu.SMEM)


def _dense_call(mapf, unitf, factf, loc1, vfact, vmove, vtrans, vpick, vdig,
                vsd, vrech, vdn, w_au, b_au, w_fact, b_fact):
    out_shapes = (
        jax.ShapeDtypeStruct((_B, 1, _SL, _LN), jnp.float32),
        jax.ShapeDtypeStruct((_B, 1, _SL, _LN), jnp.float32),
        jax.ShapeDtypeStruct((_B, 1, _SL, _LN), jnp.float32),
        jax.ShapeDtypeStruct((_B, 1, _SL, _LN), jnp.int32),
        jax.ShapeDtypeStruct((_B, 1, _SL, _LN), jnp.float32),
        jax.ShapeDtypeStruct((_B, 6, _SL, _LN), jnp.float32),
    )
    in_specs = [
        _chan_spec(2), _chan_spec(3), _chan_spec(6), _chan_spec(1),
        _chan_spec(4), _chan_spec(10), _chan_spec(50), _chan_spec(10),
        _chan_spec(2), _chan_spec(1), _chan_spec(2), _chan_spec(1),
        _smem_spec((8, 5)), _smem_spec((8,)), _smem_spec((4, 6)),
        _smem_spec((4,)),
    ]
    out_specs = (
        _chan_spec(1), _chan_spec(1), _chan_spec(1), _chan_spec(1),
        _chan_spec(1), _chan_spec(6),
    )
    return pl.pallas_call(
        _dense_body,
        grid=(_B,),
        in_specs=in_specs,
        out_specs=out_specs,
        out_shape=out_shapes,
        compiler_params=pltpu.CompilerParams(
            dimension_semantics=("arbitrary",)),
    )(mapf, unitf, factf, loc1, vfact, vmove, vtrans, vpick, vdig, vsd,
      vrech, vdn, w_au, b_au, w_fact, b_fact)



_NC = 2
_NS = 16
_NW = _NC * _NS
_RPW = _B // _NW
_NGRP = _P // 16
_NZGRP = _NPAD // 16


def _scatter_body(ids_hbm, lp_hbm, cv_hbm, en_hbm,
                  out_lp, out_cv, out_en,
                  ids_v, lp_v, cv_v, en_v, olp_v, ocv_v, oen_v):
    wid = lax.axis_index("s") * _NC + lax.axis_index("c")
    in_base = wid * (_RPW * _P)
    out_base = wid * (_RPW * _NPAD)
    pltpu.sync_copy(ids_hbm.at[pl.ds(in_base, _RPW * _P)], ids_v)
    pltpu.sync_copy(lp_hbm.at[pl.ds(in_base, _RPW * _P)], lp_v)
    pltpu.sync_copy(cv_hbm.at[pl.ds(in_base, _RPW * _P)], cv_v)
    pltpu.sync_copy(en_hbm.at[pl.ds(in_base, _RPW * _P)], en_v)

    zero16 = jnp.zeros((16,), jnp.float32)

    def zgrp(i, _):
        sl = pl.ds(i * 16, 16)
        olp_v[sl] = zero16
        ocv_v[sl] = zero16
        oen_v[sl] = zero16
        return 0
    lax.fori_loop(0, _RPW * _NZGRP, zgrp, 0)

    for r in range(_RPW):
        def sgrp(j, _, r=r):
            sl = pl.ds(r * _P + j * 16, 16)
            idx = ids_v[sl] + (r * _NPAD)
            plsc.store_scatter(olp_v, [idx], lp_v[sl])
            plsc.store_scatter(ocv_v, [idx], cv_v[sl])
            plsc.store_scatter(oen_v, [idx], en_v[sl])
            return 0
        lax.fori_loop(0, _NGRP, sgrp, 0)

    pltpu.sync_copy(olp_v, out_lp.at[pl.ds(out_base, _RPW * _NPAD)])
    pltpu.sync_copy(ocv_v, out_cv.at[pl.ds(out_base, _RPW * _NPAD)])
    pltpu.sync_copy(oen_v, out_en.at[pl.ds(out_base, _RPW * _NPAD)])


def _scatter_call(ids, lp, cv, en):
    fn = pl.kernel(
        _scatter_body,
        mesh=plsc.VectorSubcoreMesh(core_axis_name="c", subcore_axis_name="s"),
        compiler_params=pltpu.CompilerParams(needs_layout_passes=False),
        out_type=[jax.ShapeDtypeStruct((_B * _NPAD,), jnp.float32)] * 3,
        scratch_types=[
            pltpu.VMEM((_RPW * _P,), jnp.int32),
            pltpu.VMEM((_RPW * _P,), jnp.float32),
            pltpu.VMEM((_RPW * _P,), jnp.float32),
            pltpu.VMEM((_RPW * _P,), jnp.float32),
            pltpu.VMEM((_RPW * _NPAD,), jnp.float32),
            pltpu.VMEM((_RPW * _NPAD,), jnp.float32),
            pltpu.VMEM((_RPW * _NPAD,), jnp.float32),
        ],
    )
    return fn(ids, lp, cv, en)



def kernel(global_feature, map_feature, factory_feature, unit_feature,
           location_feature, va_factory_act, va_move, va_transfer, va_pickup,
           va_dig, va_self_destruct, va_recharge, va_do_nothing,
           W_factory, b_factory, W_critic, b_critic, W_dir, b_dir,
           W_act, b_act):
    B, _, H, W = map_feature.shape
    P = H * W

    def chans(x):
        if x.dtype == jnp.bool_:
            x = x.view(jnp.int8)
        return x.reshape(B, -1, _SL, _LN)

    loc1 = location_feature[:, 1:2].reshape(B, 1, _SL, _LN)
    w_au = jnp.concatenate([W_act, W_critic], axis=0)
    b_au = jnp.concatenate([b_act, b_critic], axis=0)
    ulogp, uent, critic, ids, factmap, uactmap = _dense_call(
        chans(map_feature), chans(unit_feature), chans(factory_feature), loc1,
        chans(va_factory_act), chans(va_move), chans(va_transfer),
        chans(va_pickup), chans(va_dig), chans(va_self_destruct),
        chans(va_recharge), chans(va_do_nothing),
        w_au, b_au, W_factory, b_factory)

    lp_t, cv_t, en_t = _scatter_call(
        ids.reshape(B * P), ulogp.reshape(B * P), critic.reshape(B * P),
        uent.reshape(B * P))

    logp = lp_t.reshape(B, _NPAD)[:, :_NIDS]
    critic_value = cv_t.reshape(B, _NPAD)[:, :_NIDS]
    entropy = en_t.reshape(B, _NPAD)[:, :_NIDS]
    factory_act_map = factmap.reshape(B, H, W)
    unit_act_map = uactmap.reshape(B, 6, H, W)
    return (logp, critic_value, factory_act_map, unit_act_map, entropy)

# --- scband reference (transcript-rebuilt; emitter-appended) ---
"""Pipeline reference for scband-simple-net-22454089023572 (READ-ONLY COPY).

The authoritative reference and input builder live on the scoring server;
editing this copy changes nothing except your own understanding.
"""

import jax, jax.numpy as jnp
import numpy as np

def _avg_pool3(x):
    s = jax.lax.reduce_window(x, 0.0, jax.lax.add, (1, 1, 3, 3), (1, 1, 1, 1), 'SAME')
    return s / 9.0

def _conv2d(x, w, b):
    out = jax.lax.conv_general_dilated(x, w, (1, 1), 'SAME', dimension_numbers=('NCHW', 'OIHW', 'NCHW'))
    return out + b[None, :, None, None]

def _masked_categorical(logits, va):
    neg = jnp.where(va, logits, jnp.float32(-1e9))
    logp_all = jax.nn.log_softmax(neg, axis=-1)
    act = jnp.argmax(neg, axis=-1)
    logp = jnp.take_along_axis(logp_all, act[:, None], axis=-1)[:, 0]
    p = jnp.exp(logp_all)
    ent = -jnp.sum(jnp.where(va, p * logp_all, 0.0), axis=-1)
    return logp, act, ent

def setup_inputs(seed: int = 0):
    key = jax.random.key(seed)
    ks = jax.random.split(key, 32)
    B, H, W = 256, 48, 48
    inp = {}
    inp['global_feature'] = jax.random.normal(ks[0], (B, 4), dtype=jnp.float32)
    inp['map_feature'] = jax.random.normal(ks[1], (B, 2, H, W), dtype=jnp.float32)
    inp['factory_feature'] = jax.random.normal(ks[2], (B, 6, H, W), dtype=jnp.float32)
    inp['unit_feature'] = jax.random.normal(ks[3], (B, 3, H, W), dtype=jnp.float32)
    inp['location_feature'] = jax.random.randint(ks[4], (B, 2, H, W), 0, 900).astype(jnp.int32)
    inp['va_factory_act'] = jax.random.randint(ks[5], (B, 4, H, W), 0, 2).astype(bool)
    inp['va_move'] = jax.random.randint(ks[6], (B, 5, 2, H, W), 0, 2).astype(bool)
    inp['va_transfer'] = jax.random.randint(ks[7], (B, 5, 5, 2, H, W), 0, 2).astype(bool)
    inp['va_pickup'] = jax.random.randint(ks[8], (B, 5, 2, H, W), 0, 2).astype(bool)
    inp['va_dig'] = jax.random.randint(ks[9], (B, 2, H, W), 0, 2).astype(bool)
    inp['va_self_destruct'] = jax.random.randint(ks[10], (B, 1, H, W), 0, 2).astype(bool)
    inp['va_recharge'] = jax.random.randint(ks[11], (B, 2, H, W), 0, 2).astype(bool)
    inp['va_do_nothing'] = jax.random.randint(ks[12], (B, H, W), 0, 2).astype(bool)
    inp['W_factory'] = jax.random.normal(ks[13], (4, 6), dtype=jnp.float32) * 0.1
    inp['b_factory'] = jnp.zeros((4,), jnp.float32)
    inp['W_critic'] = jax.random.normal(ks[14], (1, 5), dtype=jnp.float32) * 0.1
    inp['b_critic'] = jnp.zeros((1,), jnp.float32)
    inp['W_dir'] = jax.random.normal(ks[15], (4, 5, 3, 3), dtype=jnp.float32) * 0.1
    inp['b_dir'] = jnp.zeros((4,), jnp.float32)
    inp['W_act'] = jax.random.normal(ks[16], (7, 5), dtype=jnp.float32) * 0.1
    inp['b_act'] = jnp.zeros((7,), jnp.float32)
    return inp

def reference(global_feature, map_feature, factory_feature, unit_feature, location_feature, va_factory_act, va_move, va_transfer, va_pickup, va_dig, va_self_destruct, va_recharge, va_do_nothing, W_factory, b_factory, W_critic, b_critic, W_dir, b_dir, W_act, b_act):
    B, _, H, W = map_feature.shape
    large = _avg_pool3(map_feature) + map_feature
    mn = jnp.min(large, axis=(0, 2, 3), keepdims=True)
    mx = jnp.max(large, axis=(0, 2, 3), keepdims=True)
    large = 2.0 * (large - mn) / (mx - mn) - 1.0
    value_feature = jnp.concatenate([map_feature, unit_feature], axis=1)
    act_type_feature = value_feature
    ua_va = jnp.stack([va_move.reshape(B, -1, H, W).any(1), va_transfer.reshape(B, -1, H, W).any(1), va_pickup.reshape(B, -1, H, W).any(1), va_dig.any(1), va_self_destruct.any(1), va_recharge.any(1), va_do_nothing], axis=1)
    fmask = va_factory_act.any(axis=1)
    umask = ua_va.any(axis=1)
    b_idx = jnp.broadcast_to(jnp.arange(B)[:, None, None], (B, H, W))
    factory_ids = jnp.where(fmask, location_feature[:, 0], 0).astype(jnp.int32)
    unit_ids_full = (location_feature[:, 1] + 10).astype(jnp.int32)
    safe_unit_ids = jnp.where(umask, unit_ids_full, 1000)
    critic_map = (jnp.einsum('bchw,oc->bohw', value_feature, W_critic) + b_critic[None, :, None, None])[:, 0]
    critic_value = jnp.zeros((B, 1000), jnp.float32).at[b_idx, safe_unit_ids].set(critic_map)
    direction_feature = jax.nn.leaky_relu(_conv2d(jnp.concatenate([large, unit_feature], axis=1), W_dir, b_dir))
    factory_emb = factory_feature.transpose(0, 2, 3, 1).reshape(-1, factory_feature.shape[1])
    factory_va = va_factory_act.transpose(0, 2, 3, 1).reshape(-1, va_factory_act.shape[1])
    f_logits = factory_emb @ W_factory.T + b_factory
    f_logp, f_act, f_ent = _masked_categorical(f_logits, factory_va)
    factory_act_map = jnp.where(fmask, f_act.reshape(B, H, W).astype(jnp.float32), 0.0)
    unit_emb = act_type_feature.transpose(0, 2, 3, 1).reshape(-1, act_type_feature.shape[1])
    unit_dir = jnp.where(umask[:, None], direction_feature, 0.0)
    ua_va_u = ua_va.transpose(0, 2, 3, 1).reshape(-1, ua_va.shape[1])
    at_logits = unit_emb @ W_act.T + b_act
    u_logp, u_act, u_ent = _masked_categorical(at_logits, ua_va_u)
    u_act_map = jnp.where(umask, u_act.reshape(B, H, W).astype(jnp.float32), 0.0)
    unit_act_map = jnp.zeros((B, 6, H, W), jnp.float32).at[:, 0].set(u_act_map).at[:, 5].set(jnp.where(umask, 1.0, 0.0))
    logp = jnp.zeros((B, 1000), jnp.float32).at[b_idx, safe_unit_ids].set(u_logp.reshape(B, H, W))
    entropy = jnp.zeros((B, 1000), jnp.float32).at[b_idx, safe_unit_ids].set(u_ent.reshape(B, H, W))
    return (logp, critic_value, factory_act_map, unit_act_map, entropy)

if __name__ == "__main__":
    import jax
    _d = setup_inputs()
    print(jax.jit(kernel)(*tuple(_d.values())))

</pallas_src>

<mosaic_0001>
#map = affine_map<(d0, d1) -> (0)>
module attributes {stable_mosaic.version = 14 : i64} {
  func.func @_scatter_body(%arg0: i32, %arg1: i32, %arg2: memref<589824xi32, #tpu.memory_space<hbm>>, %arg3: memref<589824xf32, #tpu.memory_space<hbm>>, %arg4: memref<589824xf32, #tpu.memory_space<hbm>>, %arg5: memref<589824xf32, #tpu.memory_space<hbm>>, %arg6: memref<258048xf32, #tpu.memory_space<hbm>>, %arg7: memref<258048xf32, #tpu.memory_space<hbm>>, %arg8: memref<258048xf32, #tpu.memory_space<hbm>>, %arg9: memref<18432xi32, #tpu.memory_space<vmem>>, %arg10: memref<18432xf32, #tpu.memory_space<vmem>>, %arg11: memref<18432xf32, #tpu.memory_space<vmem>>, %arg12: memref<18432xf32, #tpu.memory_space<vmem>>, %arg13: memref<8064xf32, #tpu.memory_space<vmem>>, %arg14: memref<8064xf32, #tpu.memory_space<vmem>>, %arg15: memref<8064xf32, #tpu.memory_space<vmem>>) attributes {dimension_semantics = [#tpu.dimension_semantics<core_parallel>, #tpu.dimension_semantics<subcore_parallel>], iteration_bounds = array<i64: 2, 16>, scalar_prefetch = 0 : i64, scratch_operands = 7 : i64, tpu.core_type = #tpu.core_type<sc_vector_subcore>, window_params = [{transform_indices = #map}, {transform_indices = #map}, {transform_indices = #map}, {transform_indices = #map}, {transform_indices = #map}, {transform_indices = #map}, {transform_indices = #map}]} {
    %mul3A = arith.constant 2 : i32
    %mul3A_0 = arith.muli %arg1, %mul3A : i32
    %add3A = arith.addi %mul3A_0, %arg0 : i32
    %mul3A_1 = arith.constant 18432 : i32
    %mul3A_2 = arith.muli %add3A, %mul3A_1 : i32
    %mul3A_3 = arith.constant 8064 : i32
    %mul3A_4 = arith.muli %add3A, %mul3A_3 : i32
    "tpu.region"() ({
      %run_scoped3A = tpu.sem_alloc : memref<!tpu.dma_semaphore, #tpu.memory_space<semaphore_mem>>
      %dma_start3A = tpu.memref_slice %arg2[%mul3A_2] : memref<589824xi32, #tpu.memory_space<hbm>> -> memref<18432xi32, #tpu.memory_space<hbm>>
      %dma_start3A_68 = tpu.memref_slice %arg2[%mul3A_2] : memref<589824xi32, #tpu.memory_space<hbm>> -> memref<18432xi32, #tpu.memory_space<hbm>>
      tpu.enqueue_dma source(%dma_start3A_68 : memref<18432xi32, #tpu.memory_space<hbm>>) target(%arg9 : memref<18432xi32, #tpu.memory_space<vmem>>) target_semaphore(%run_scoped3A : memref<!tpu.dma_semaphore, #tpu.memory_space<semaphore_mem>>)
      %dma_wait3A = tpu.memref_slice %arg2[%mul3A_2] : memref<589824xi32, #tpu.memory_space<hbm>> -> memref<18432xi32, #tpu.memory_space<hbm>>
      %dma_wait3A_69 = tpu.memref_slice %arg2[%mul3A_2] : memref<589824xi32, #tpu.memory_space<hbm>> -> memref<18432xi32, #tpu.memory_space<hbm>>
      tpu.wait_dma2 semaphore(%run_scoped3A : memref<!tpu.dma_semaphore, #tpu.memory_space<semaphore_mem>>) src(%dma_wait3A_69 : memref<18432xi32, #tpu.memory_space<hbm>>) dst(%arg9 : memref<18432xi32, #tpu.memory_space<vmem>>)
      tpu.yield
    }) : () -> ()
    "tpu.region"() ({
      %run_scoped3A = tpu.sem_alloc : memref<!tpu.dma_semaphore, #tpu.memory_space<semaphore_mem>>
      %dma_start3A = tpu.memref_slice %arg3[%mul3A_2] : memref<589824xf32, #tpu.memory_space<hbm>> -> memref<18432xf32, #tpu.memory_space<hbm>>
      %dma_start3A_68 = tpu.memref_slice %arg3[%mul3A_2] : memref<589824xf32, #tpu.memory_space<hbm>> -> memref<18432xf32, #tpu.memory_space<hbm>>
      tpu.enqueue_dma source(%dma_start3A_68 : memref<18432xf32, #tpu.memory_space<hbm>>) target(%arg10 : memref<18432xf32, #tpu.memory_space<vmem>>) target_semaphore(%run_scoped3A : memref<!tpu.dma_semaphore, #tpu.memory_space<semaphore_mem>>)
      %dma_wait3A = tpu.memref_slice %arg3[%mul3A_2] : memref<589824xf32, #tpu.memory_space<hbm>> -> memref<18432xf32, #tpu.memory_space<hbm>>
      %dma_wait3A_69 = tpu.memref_slice %arg3[%mul3A_2] : memref<589824xf32, #tpu.memory_space<hbm>> -> memref<18432xf32, #tpu.memory_space<hbm>>
      tpu.wait_dma2 semaphore(%run_scoped3A : memref<!tpu.dma_semaphore, #tpu.memory_space<semaphore_mem>>) src(%dma_wait3A_69 : memref<18432xf32, #tpu.memory_space<hbm>>) dst(%arg10 : memref<18432xf32, #tpu.memory_space<vmem>>)
      tpu.yield
    }) : () -> ()
    "tpu.region"() ({
      %run_scoped3A = tpu.sem_alloc : memref<!tpu.dma_semaphore, #tpu.memory_space<semaphore_mem>>
      %dma_start3A = tpu.memref_slice %arg4[%mul3A_2] : memref<589824xf32, #tpu.memory_space<hbm>> -> memref<18432xf32, #tpu.memory_space<hbm>>
      %dma_start3A_68 = tpu.memref_slice %arg4[%mul3A_2] : memref<589824xf32, #tpu.memory_space<hbm>> -> memref<18432xf32, #tpu.memory_space<hbm>>
      tpu.enqueue_dma source(%dma_start3A_68 : memref<18432xf32, #tpu.memory_space<hbm>>) target(%arg11 : memref<18432xf32, #tpu.memory_space<vmem>>) target_semaphore(%run_scoped3A : memref<!tpu.dma_semaphore, #tpu.memory_space<semaphore_mem>>)
      %dma_wait3A = tpu.memref_slice %arg4[%mul3A_2] : memref<589824xf32, #tpu.memory_space<hbm>> -> memref<18432xf32, #tpu.memory_space<hbm>>
      %dma_wait3A_69 = tpu.memref_slice %arg4[%mul3A_2] : memref<589824xf32, #tpu.memory_space<hbm>> -> memref<18432xf32, #tpu.memory_space<hbm>>
      tpu.wait_dma2 semaphore(%run_scoped3A : memref<!tpu.dma_semaphore, #tpu.memory_space<semaphore_mem>>) src(%dma_wait3A_69 : memref<18432xf32, #tpu.memory_space<hbm>>) dst(%arg11 : memref<18432xf32, #tpu.memory_space<vmem>>)
      tpu.yield
    }) : () -> ()
    "tpu.region"() ({
      %run_scoped3A = tpu.sem_alloc : memref<!tpu.dma_semaphore, #tpu.memory_space<semaphore_mem>>
      %dma_start3A = tpu.memref_slice %arg5[%mul3A_2] : memref<589824xf32, #tpu.memory_space<hbm>> -> memref<18432xf32, #tpu.memory_space<hbm>>
      %dma_start3A_68 = tpu.memref_slice %arg5[%mul3A_2] : memref<589824xf32, #tpu.memory_space<hbm>> -> memref<18432xf32, #tpu.memory_space<hbm>>
      tpu.enqueue_dma source(%dma_start3A_68 : memref<18432xf32, #tpu.memory_space<hbm>>) target(%arg12 : memref<18432xf32, #tpu.memory_space<vmem>>) target_semaphore(%run_scoped3A : memref<!tpu.dma_semaphore, #tpu.memory_space<semaphore_mem>>)
      %dma_wait3A = tpu.memref_slice %arg5[%mul3A_2] : memref<589824xf32, #tpu.memory_space<hbm>> -> memref<18432xf32, #tpu.memory_space<hbm>>
      %dma_wait3A_69 = tpu.memref_slice %arg5[%mul3A_2] : memref<589824xf32, #tpu.memory_space<hbm>> -> memref<18432xf32, #tpu.memory_space<hbm>>
      tpu.wait_dma2 semaphore(%run_scoped3A : memref<!tpu.dma_semaphore, #tpu.memory_space<semaphore_mem>>) src(%dma_wait3A_69 : memref<18432xf32, #tpu.memory_space<hbm>>) dst(%arg12 : memref<18432xf32, #tpu.memory_space<vmem>>)
      tpu.yield
    }) : () -> ()
    %broadcast_in_dim3A = arith.constant 0.000000e+00 : f32
    %broadcast_in_dim3A_5 = vector.broadcast %broadcast_in_dim3A : f32 to vector<16xf32>
    %scan3A = arith.constant 0 : i32
    %scan3A_6 = arith.constant 0 : i32
    %scan3A_7 = arith.constant 504 : i32
    %scan3A_8 = arith.addi %scan3A_6, %scan3A_7 : i32
    %scan3A_9 = arith.constant 1 : i32
    %scan3A_10 = scf.for %scan3A_68 = %scan3A_6 to %scan3A_8 step %scan3A_9 iter_args(%scan3A_69 = %scan3A) -> (i32)  : i32 {
      %mul3A_70 = arith.constant 16 : i32
      %mul3A_71 = arith.muli %scan3A_68, %mul3A_70 : i32
      %swap3A = arith.index_cast %mul3A_71 : i32 to index
      %swap3A_72 = tpu.vector_load %arg13[%swap3A] {strides = array<i32>} : memref<8064xf32, #tpu.memory_space<vmem>>, vector<16xf32>,
      tpu.vector_store %arg13[%swap3A], %broadcast_in_dim3A_5 {strides = array<i32>} : memref<8064xf32, #tpu.memory_space<vmem>>, vector<16xf32>,
      %swap3A_73 = arith.index_cast %mul3A_71 : i32 to index
      %swap3A_74 = tpu.vector_load %arg14[%swap3A_73] {strides = array<i32>} : memref<8064xf32, #tpu.memory_space<vmem>>, vector<16xf32>,
      tpu.vector_store %arg14[%swap3A_73], %broadcast_in_dim3A_5 {strides = array<i32>} : memref<8064xf32, #tpu.memory_space<vmem>>, vector<16xf32>,
      %swap3A_75 = arith.index_cast %mul3A_71 : i32 to index
      %swap3A_76 = tpu.vector_load %arg15[%swap3A_75] {strides = array<i32>} : memref<8064xf32, #tpu.memory_space<vmem>>, vector<16xf32>,
      tpu.vector_store %arg15[%swap3A_75], %broadcast_in_dim3A_5 {strides = array<i32>} : memref<8064xf32, #tpu.memory_space<vmem>>, vector<16xf32>,
      %scan3A_77 = arith.constant 0 : i32
      scf.yield %scan3A_77 : i32
    }
    %scan3A_11 = arith.constant 504 : i32
    %scan3A_12 = arith.constant 0 : i32
    %scan3A_13 = arith.constant 0 : i32
    %scan3A_14 = arith.constant 144 : i32
    %scan3A_15 = arith.addi %scan3A_13, %scan3A_14 : i32
    %scan3A_16 = arith.constant 1 : i32
    %scan3A_17 = scf.for %scan3A_68 = %scan3A_13 to %scan3A_15 step %scan3A_16 iter_args(%scan3A_69 = %scan3A_12) -> (i32)  : i32 {
      %mul3A_70 = arith.constant 16 : i32
      %mul3A_71 = arith.muli %scan3A_68, %mul3A_70 : i32
      %add3A_72 = arith.constant 0 : i32
      %add3A_73 = arith.addi %add3A_72, %mul3A_71 : i32
      %get3A = arith.index_cast %add3A_73 : i32 to index
      %get3A_74 = tpu.vector_load %arg9[%get3A] {strides = array<i32>} : memref<18432xi32, #tpu.memory_space<vmem>>, vector<16xi32>,
      %add3A_75 = arith.constant 0 : i32
      %add3A_76 = vector.broadcast %add3A_75 : i32 to vector<16xi32>
      %add3A_77 = arith.addi %get3A_74, %add3A_76 : vector<16xi32>
      %get3A_78 = arith.index_cast %add3A_73 : i32 to index
      %get3A_79 = tpu.vector_load %arg10[%get3A_78] {strides = array<i32>} : memref<18432xf32, #tpu.memory_space<vmem>>, vector<16xf32>,
      tpu.vector_store_idx %arg13[%add3A_77], %get3A_79 : memref<8064xf32, #tpu.memory_space<vmem>>[vector<16xi32>], vector<16xf32>,
      %get3A_80 = arith.index_cast %add3A_73 : i32 to index
      %get3A_81 = tpu.vector_load %arg11[%get3A_80] {strides = array<i32>} : memref<18432xf32, #tpu.memory_space<vmem>>, vector<16xf32>,
      tpu.vector_store_idx %arg14[%add3A_77], %get3A_81 : memref<8064xf32, #tpu.memory_space<vmem>>[vector<16xi32>], vector<16xf32>,
      %get3A_82 = arith.index_cast %add3A_73 : i32 to index
      %get3A_83 = tpu.vector_load %arg12[%get3A_82] {strides = array<i32>} : memref<18432xf32, #tpu.memory_space<vmem>>, vector<16xf32>,
      tpu.vector_store_idx %arg15[%add3A_77], %get3A_83 : memref<8064xf32, #tpu.memory_space<vmem>>[vector<16xi32>], vector<16xf32>,
      %scan3A_84 = arith.constant 0 : i32
      scf.yield %scan3A_84 : i32
    }
    %scan3A_18 = arith.constant 144 : i32
    %scan3A_19 = arith.constant 0 : i32
    %scan3A_20 = arith.constant 0 : i32
    %scan3A_21 = arith.constant 144 : i32
    %scan3A_22 = arith.addi %scan3A_20, %scan3A_21 : i32
    %scan3A_23 = arith.constant 1 : i32
    %scan3A_24 = scf.for %scan3A_68 = %scan3A_20 to %scan3A_22 step %scan3A_23 iter_args(%scan3A_69 = %scan3A_19) -> (i32)  : i32 {
      %mul3A_70 = arith.constant 16 : i32
      %mul3A_71 = arith.muli %scan3A_68, %mul3A_70 : i32
      %add3A_72 = arith.constant 2304 : i32
      %add3A_73 = arith.addi %add3A_72, %mul3A_71 : i32
      %get3A = arith.index_cast %add3A_73 : i32 to index
      %get3A_74 = tpu.vector_load %arg9[%get3A] {strides = array<i32>} : memref<18432xi32, #tpu.memory_space<vmem>>, vector<16xi32>,
      %add3A_75 = arith.constant 1008 : i32
      %add3A_76 = vector.broadcast %add3A_75 : i32 to vector<16xi32>
      %add3A_77 = arith.addi %get3A_74, %add3A_76 : vector<16xi32>
      %get3A_78 = arith.index_cast %add3A_73 : i32 to index
      %get3A_79 = tpu.vector_load %arg10[%get3A_78] {strides = array<i32>} : memref<18432xf32, #tpu.memory_space<vmem>>, vector<16xf32>,
      tpu.vector_store_idx %arg13[%add3A_77], %get3A_79 : memref<8064xf32, #tpu.memory_space<vmem>>[vector<16xi32>], vector<16xf32>,
      %get3A_80 = arith.index_cast %add3A_73 : i32 to index
      %get3A_81 = tpu.vector_load %arg11[%get3A_80] {strides = array<i32>} : memref<18432xf32, #tpu.memory_space<vmem>>, vector<16xf32>,
      tpu.vector_store_idx %arg14[%add3A_77], %get3A_81 : memref<8064xf32, #tpu.memory_space<vmem>>[vector<16xi32>], vector<16xf32>,
      %get3A_82 = arith.index_cast %add3A_73 : i32 to index
      %get3A_83 = tpu.vector_load %arg12[%get3A_82] {strides = array<i32>} : memref<18432xf32, #tpu.memory_space<vmem>>, vector<16xf32>,
      tpu.vector_store_idx %arg15[%add3A_77], %get3A_83 : memref<8064xf32, #tpu.memory_space<vmem>>[vector<16xi32>], vector<16xf32>,
      %scan3A_84 = arith.constant 0 : i32
      scf.yield %scan3A_84 : i32
    }
    %scan3A_25 = arith.constant 144 : i32
    %scan3A_26 = arith.constant 0 : i32
    %scan3A_27 = arith.constant 0 : i32
    %scan3A_28 = arith.constant 144 : i32
    %scan3A_29 = arith.addi %scan3A_27, %scan3A_28 : i32
    %scan3A_30 = arith.constant 1 : i32
    %scan3A_31 = scf.for %scan3A_68 = %scan3A_27 to %scan3A_29 step %scan3A_30 iter_args(%scan3A_69 = %scan3A_26) -> (i32)  : i32 {
      %mul3A_70 = arith.constant 16 : i32
      %mul3A_71 = arith.muli %scan3A_68, %mul3A_70 : i32
      %add3A_72 = arith.constant 4608 : i32
      %add3A_73 = arith.addi %add3A_72, %mul3A_71 : i32
      %get3A = arith.index_cast %add3A_73 : i32 to index
      %get3A_74 = tpu.vector_load %arg9[%get3A] {strides = array<i32>} : memref<18432xi32, #tpu.memory_space<vmem>>, vector<16xi32>,
      %add3A_75 = arith.constant 2016 : i32
      %add3A_76 = vector.broadcast %add3A_75 : i32 to vector<16xi32>
      %add3A_77 = arith.addi %get3A_74, %add3A_76 : vector<16xi32>
      %get3A_78 = arith.index_cast %add3A_73 : i32 to index
      %get3A_79 = tpu.vector_load %arg10[%get3A_78] {strides = array<i32>} : memref<18432xf32, #tpu.memory_space<vmem>>, vector<16xf32>,
      tpu.vector_store_idx %arg13[%add3A_77], %get3A_79 : memref<8064xf32, #tpu.memory_space<vmem>>[vector<16xi32>], vector<16xf32>,
      %get3A_80 = arith.index_cast %add3A_73 : i32 to index
      %get3A_81 = tpu.vector_load %arg11[%get3A_80] {strides = array<i32>} : memref<18432xf32, #tpu.memory_space<vmem>>, vector<16xf32>,
      tpu.vector_store_idx %arg14[%add3A_77], %get3A_81 : memref<8064xf32, #tpu.memory_space<vmem>>[vector<16xi32>], vector<16xf32>,
      %get3A_82 = arith.index_cast %add3A_73 : i32 to index
      %get3A_83 = tpu.vector_load %arg12[%get3A_82] {strides = array<i32>} : memref<18432xf32, #tpu.memory_space<vmem>>, vector<16xf32>,
      tpu.vector_store_idx %arg15[%add3A_77], %get3A_83 : memref<8064xf32, #tpu.memory_space<vmem>>[vector<16xi32>], vector<16xf32>,
      %scan3A_84 = arith.constant 0 : i32
      scf.yield %scan3A_84 : i32
    }
    %scan3A_32 = arith.constant 144 : i32
    %scan3A_33 = arith.constant 0 : i32
    %scan3A_34 = arith.constant 0 : i32
    %scan3A_35 = arith.constant 144 : i32
    %scan3A_36 = arith.addi %scan3A_34, %scan3A_35 : i32
    %scan3A_37 = arith.constant 1 : i32
    %scan3A_38 = scf.for %scan3A_68 = %scan3A_34 to %scan3A_36 step %scan3A_37 iter_args(%scan3A_69 = %scan3A_33) -> (i32)  : i32 {
      %mul3A_70 = arith.constant 16 : i32
      %mul3A_71 = arith.muli %scan3A_68, %mul3A_70 : i32
      %add3A_72 = arith.constant 6912 : i32
      %add3A_73 = arith.addi %add3A_72, %mul3A_71 : i32
      %get3A = arith.index_cast %add3A_73 : i32 to index
      %get3A_74 = tpu.vector_load %arg9[%get3A] {strides = array<i32>} : memref<18432xi32, #tpu.memory_space<vmem>>, vector<16xi32>,
      %add3A_75 = arith.constant 3024 : i32
      %add3A_76 = vector.broadcast %add3A_75 : i32 to vector<16xi32>
      %add3A_77 = arith.addi %get3A_74, %add3A_76 : vector<16xi32>
      %get3A_78 = arith.index_cast %add3A_73 : i32 to index
      %get3A_79 = tpu.vector_load %arg10[%get3A_78] {strides = array<i32>} : memref<18432xf32, #tpu.memory_space<vmem>>, vector<16xf32>,
      tpu.vector_store_idx %arg13[%add3A_77], %get3A_79 : memref<8064xf32, #tpu.memory_space<vmem>>[vector<16xi32>], vector<16xf32>,
      %get3A_80 = arith.index_cast %add3A_73 : i32 to index
      %get3A_81 = tpu.vector_load %arg11[%get3A_80] {strides = array<i32>} : memref<18432xf32, #tpu.memory_space<vmem>>, vector<16xf32>,
      tpu.vector_store_idx %arg14[%add3A_77], %get3A_81 : memref<8064xf32, #tpu.memory_space<vmem>>[vector<16xi32>], vector<16xf32>,
      %get3A_82 = arith.index_cast %add3A_73 : i32 to index
      %get3A_83 = tpu.vector_load %arg12[%get3A_82] {strides = array<i32>} : memref<18432xf32, #tpu.memory_space<vmem>>, vector<16xf32>,
      tpu.vector_store_idx %arg15[%add3A_77], %get3A_83 : memref<8064xf32, #tpu.memory_space<vmem>>[vector<16xi32>], vector<16xf32>,
      %scan3A_84 = arith.constant 0 : i32
      scf.yield %scan3A_84 : i32
    }
    %scan3A_39 = arith.constant 144 : i32
    %scan3A_40 = arith.constant 0 : i32
    %scan3A_41 = arith.constant 0 : i32
    %scan3A_42 = arith.constant 144 : i32
    %scan3A_43 = arith.addi %scan3A_41, %scan3A_42 : i32
    %scan3A_44 = arith.constant 1 : i32
    %scan3A_45 = scf.for %scan3A_68 = %scan3A_41 to %scan3A_43 step %scan3A_44 iter_args(%scan3A_69 = %scan3A_40) -> (i32)  : i32 {
      %mul3A_70 = arith.constant 16 : i32
      %mul3A_71 = arith.muli %scan3A_68, %mul3A_70 : i32
      %add3A_72 = arith.constant 9216 : i32
      %add3A_73 = arith.addi %add3A_72, %mul3A_71 : i32
      %get3A = arith.index_cast %add3A_73 : i32 to index
      %get3A_74 = tpu.vector_load %arg9[%get3A] {strides = array<i32>} : memref<18432xi32, #tpu.memory_space<vmem>>, vector<16xi32>,
      %add3A_75 = arith.constant 4032 : i32
      %add3A_76 = vector.broadcast %add3A_75 : i32 to vector<16xi32>
      %add3A_77 = arith.addi %get3A_74, %add3A_76 : vector<16xi32>
      %get3A_78 = arith.index_cast %add3A_73 : i32 to index
      %get3A_79 = tpu.vector_load %arg10[%get3A_78] {strides = array<i32>} : memref<18432xf32, #tpu.memory_space<vmem>>, vector<16xf32>,
      tpu.vector_store_idx %arg13[%add3A_77], %get3A_79 : memref<8064xf32, #tpu.memory_space<vmem>>[vector<16xi32>], vector<16xf32>,
      %get3A_80 = arith.index_cast %add3A_73 : i32 to index
      %get3A_81 = tpu.vector_load %arg11[%get3A_80] {strides = array<i32>} : memref<18432xf32, #tpu.memory_space<vmem>>, vector<16xf32>,
      tpu.vector_store_idx %arg14[%add3A_77], %get3A_81 : memref<8064xf32, #tpu.memory_space<vmem>>[vector<16xi32>], vector<16xf32>,
      %get3A_82 = arith.index_cast %add3A_73 : i32 to index
      %get3A_83 = tpu.vector_load %arg12[%get3A_82] {strides = array<i32>} : memref<18432xf32, #tpu.memory_space<vmem>>, vector<16xf32>,
      tpu.vector_store_idx %arg15[%add3A_77], %get3A_83 : memref<8064xf32, #tpu.memory_space<vmem>>[vector<16xi32>], vector<16xf32>,
      %scan3A_84 = arith.constant 0 : i32
      scf.yield %scan3A_84 : i32
    }
    %scan3A_46 = arith.constant 144 : i32
    %scan3A_47 = arith.constant 0 : i32
    %scan3A_48 = arith.constant 0 : i32
    %scan3A_49 = arith.constant 144 : i32
    %scan3A_50 = arith.addi %scan3A_48, %scan3A_49 : i32
    %scan3A_51 = arith.constant 1 : i32
    %scan3A_52 = scf.for %scan3A_68 = %scan3A_48 to %scan3A_50 step %scan3A_51 iter_args(%scan3A_69 = %scan3A_47) -> (i32)  : i32 {
      %mul3A_70 = arith.constant 16 : i32
      %mul3A_71 = arith.muli %scan3A_68, %mul3A_70 : i32
      %add3A_72 = arith.constant 11520 : i32
      %add3A_73 = arith.addi %add3A_72, %mul3A_71 : i32
      %get3A = arith.index_cast %add3A_73 : i32 to index
      %get3A_74 = tpu.vector_load %arg9[%get3A] {strides = array<i32>} : memref<18432xi32, #tpu.memory_space<vmem>>, vector<16xi32>,
      %add3A_75 = arith.constant 5040 : i32
      %add3A_76 = vector.broadcast %add3A_75 : i32 to vector<16xi32>
      %add3A_77 = arith.addi %get3A_74, %add3A_76 : vector<16xi32>
      %get3A_78 = arith.index_cast %add3A_73 : i32 to index
      %get3A_79 = tpu.vector_load %arg10[%get3A_78] {strides = array<i32>} : memref<18432xf32, #tpu.memory_space<vmem>>, vector<16xf32>,
      tpu.vector_store_idx %arg13[%add3A_77], %get3A_79 : memref<8064xf32, #tpu.memory_space<vmem>>[vector<16xi32>], vector<16xf32>,
      %get3A_80 = arith.index_cast %add3A_73 : i32 to index
      %get3A_81 = tpu.vector_load %arg11[%get3A_80] {strides = array<i32>} : memref<18432xf32, #tpu.memory_space<vmem>>, vector<16xf32>,
      tpu.vector_store_idx %arg14[%add3A_77], %get3A_81 : memref<8064xf32, #tpu.memory_space<vmem>>[vector<16xi32>], vector<16xf32>,
      %get3A_82 = arith.index_cast %add3A_73 : i32 to index
      %get3A_83 = tpu.vector_load %arg12[%get3A_82] {strides = array<i32>} : memref<18432xf32, #tpu.memory_space<vmem>>, vector<16xf32>,
      tpu.vector_store_idx %arg15[%add3A_77], %get3A_83 : memref<8064xf32, #tpu.memory_space<vmem>>[vector<16xi32>], vector<16xf32>,
      %scan3A_84 = arith.constant 0 : i32
      scf.yield %scan3A_84 : i32
    }
    %scan3A_53 = arith.constant 144 : i32
    %scan3A_54 = arith.constant 0 : i32
    %scan3A_55 = arith.constant 0 : i32
    %scan3A_56 = arith.constant 144 : i32
    %scan3A_57 = arith.addi %scan3A_55, %scan3A_56 : i32
    %scan3A_58 = arith.constant 1 : i32
    %scan3A_59 = scf.for %scan3A_68 = %scan3A_55 to %scan3A_57 step %scan3A_58 iter_args(%scan3A_69 = %scan3A_54) -> (i32)  : i32 {
      %mul3A_70 = arith.constant 16 : i32
      %mul3A_71 = arith.muli %scan3A_68, %mul3A_70 : i32
      %add3A_72 = arith.constant 13824 : i32
      %add3A_73 = arith.addi %add3A_72, %mul3A_71 : i32
      %get3A = arith.index_cast %add3A_73 : i32 to index
      %get3A_74 = tpu.vector_load %arg9[%get3A] {strides = array<i32>} : memref<18432xi32, #tpu.memory_space<vmem>>, vector<16xi32>,
      %add3A_75 = arith.constant 6048 : i32
      %add3A_76 = vector.broadcast %add3A_75 : i32 to vector<16xi32>
      %add3A_77 = arith.addi %get3A_74, %add3A_76 : vector<16xi32>
      %get3A_78 = arith.index_cast %add3A_73 : i32 to index
      %get3A_79 = tpu.vector_load %arg10[%get3A_78] {strides = array<i32>} : memref<18432xf32, #tpu.memory_space<vmem>>, vector<16xf32>,
      tpu.vector_store_idx %arg13[%add3A_77], %get3A_79 : memref<8064xf32, #tpu.memory_space<vmem>>[vector<16xi32>], vector<16xf32>,
      %get3A_80 = arith.index_cast %add3A_73 : i32 to index
      %get3A_81 = tpu.vector_load %arg11[%get3A_80] {strides = array<i32>} : memref<18432xf32, #tpu.memory_space<vmem>>, vector<16xf32>,
      tpu.vector_store_idx %arg14[%add3A_77], %get3A_81 : memref<8064xf32, #tpu.memory_space<vmem>>[vector<16xi32>], vector<16xf32>,
      %get3A_82 = arith.index_cast %add3A_73 : i32 to index
      %get3A_83 = tpu.vector_load %arg12[%get3A_82] {strides = array<i32>} : memref<18432xf32, #tpu.memory_space<vmem>>, vector<16xf32>,
      tpu.vector_store_idx %arg15[%add3A_77], %get3A_83 : memref<8064xf32, #tpu.memory_space<vmem>>[vector<16xi32>], vector<16xf32>,
      %scan3A_84 = arith.constant 0 : i32
      scf.yield %scan3A_84 : i32
    }
    %scan3A_60 = arith.constant 144 : i32
    %scan3A_61 = arith.constant 0 : i32
    %scan3A_62 = arith.constant 0 : i32
    %scan3A_63 = arith.constant 144 : i32
    %scan3A_64 = arith.addi %scan3A_62, %scan3A_63 : i32
    %scan3A_65 = arith.constant 1 : i32
    %scan3A_66 = scf.for %scan3A_68 = %scan3A_62 to %scan3A_64 step %scan3A_65 iter_args(%scan3A_69 = %scan3A_61) -> (i32)  : i32 {
      %mul3A_70 = arith.constant 16 : i32
      %mul3A_71 = arith.muli %scan3A_68, %mul3A_70 : i32
      %add3A_72 = arith.constant 16128 : i32
      %add3A_73 = arith.addi %add3A_72, %mul3A_71 : i32
      %get3A = arith.index_cast %add3A_73 : i32 to index
      %get3A_74 = tpu.vector_load %arg9[%get3A] {strides = array<i32>} : memref<18432xi32, #tpu.memory_space<vmem>>, vector<16xi32>,
      %add3A_75 = arith.constant 7056 : i32
      %add3A_76 = vector.broadcast %add3A_75 : i32 to vector<16xi32>
      %add3A_77 = arith.addi %get3A_74, %add3A_76 : vector<16xi32>
      %get3A_78 = arith.index_cast %add3A_73 : i32 to index
      %get3A_79 = tpu.vector_load %arg10[%get3A_78] {strides = array<i32>} : memref<18432xf32, #tpu.memory_space<vmem>>, vector<16xf32>,
      tpu.vector_store_idx %arg13[%add3A_77], %get3A_79 : memref<8064xf32, #tpu.memory_space<vmem>>[vector<16xi32>], vector<16xf32>,
      %get3A_80 = arith.index_cast %add3A_73 : i32 to index
      %get3A_81 = tpu.vector_load %arg11[%get3A_80] {strides = array<i32>} : memref<18432xf32, #tpu.memory_space<vmem>>, vector<16xf32>,
      tpu.vector_store_idx %arg14[%add3A_77], %get3A_81 : memref<8064xf32, #tpu.memory_space<vmem>>[vector<16xi32>], vector<16xf32>,
      %get3A_82 = arith.index_cast %add3A_73 : i32 to index
      %get3A_83 = tpu.vector_load %arg12[%get3A_82] {strides = array<i32>} : memref<18432xf32, #tpu.memory_space<vmem>>, vector<16xf32>,
      tpu.vector_store_idx %arg15[%add3A_77], %get3A_83 : memref<8064xf32, #tpu.memory_space<vmem>>[vector<16xi32>], vector<16xf32>,
      %scan3A_84 = arith.constant 0 : i32
      scf.yield %scan3A_84 : i32
    }
    %scan3A_67 = arith.constant 144 : i32
    "tpu.region"() ({
      %run_scoped3A = tpu.sem_alloc : memref<!tpu.dma_semaphore, #tpu.memory_space<semaphore_mem>>
      %dma_start3A = tpu.memref_slice %arg6[%mul3A_4] : memref<258048xf32, #tpu.memory_space<hbm>> -> memref<8064xf32, #tpu.memory_space<hbm>>
      %dma_start3A_68 = tpu.memref_slice %arg6[%mul3A_4] : memref<258048xf32, #tpu.memory_space<hbm>> -> memref<8064xf32, #tpu.memory_space<hbm>>
      tpu.enqueue_dma source(%arg13 : memref<8064xf32, #tpu.memory_space<vmem>>) target(%dma_start3A_68 : memref<8064xf32, #tpu.memory_space<hbm>>) target_semaphore(%run_scoped3A : memref<!tpu.dma_semaphore, #tpu.memory_space<semaphore_mem>>)
      %dma_wait3A = tpu.memref_slice %arg6[%mul3A_4] : memref<258048xf32, #tpu.memory_space<hbm>> -> memref<8064xf32, #tpu.memory_space<hbm>>
      %dma_wait3A_69 = tpu.memref_slice %arg6[%mul3A_4] : memref<258048xf32, #tpu.memory_space<hbm>> -> memref<8064xf32, #tpu.memory_space<hbm>>
      tpu.wait_dma2 semaphore(%run_scoped3A : memref<!tpu.dma_semaphore, #tpu.memory_space<semaphore_mem>>) src(%arg13 : memref<8064xf32, #tpu.memory_space<vmem>>) dst(%dma_wait3A_69 : memref<8064xf32, #tpu.memory_space<hbm>>)
      tpu.yield
    }) : () -> ()
    "tpu.region"() ({
      %run_scoped3A = tpu.sem_alloc : memref<!tpu.dma_semaphore, #tpu.memory_space<semaphore_mem>>
      %dma_start3A = tpu.memref_slice %arg7[%mul3A_4] : memref<258048xf32, #tpu.memory_space<hbm>> -> memref<8064xf32, #tpu.memory_space<hbm>>
      %dma_start3A_68 = tpu.memref_slice %arg7[%mul3A_4] : memref<258048xf32, #tpu.memory_space<hbm>> -> memref<8064xf32, #tpu.memory_space<hbm>>
      tpu.enqueue_dma source(%arg14 : memref<8064xf32, #tpu.memory_space<vmem>>) target(%dma_start3A_68 : memref<8064xf32, #tpu.memory_space<hbm>>) target_semaphore(%run_scoped3A : memref<!tpu.dma_semaphore, #tpu.memory_space<semaphore_mem>>)
      %dma_wait3A = tpu.memref_slice %arg7[%mul3A_4] : memref<258048xf32, #tpu.memory_space<hbm>> -> memref<8064xf32, #tpu.memory_space<hbm>>
      %dma_wait3A_69 = tpu.memref_slice %arg7[%mul3A_4] : memref<258048xf32, #tpu.memory_space<hbm>> -> memref<8064xf32, #tpu.memory_space<hbm>>
      tpu.wait_dma2 semaphore(%run_scoped3A : memref<!tpu.dma_semaphore, #tpu.memory_space<semaphore_mem>>) src(%arg14 : memref<8064xf32, #tpu.memory_space<vmem>>) dst(%dma_wait3A_69 : memref<8064xf32, #tpu.memory_space<hbm>>)
      tpu.yield
    }) : () -> ()
    "tpu.region"() ({
      %run_scoped3A = tpu.sem_alloc : memref<!tpu.dma_semaphore, #tpu.memory_space<semaphore_mem>>
      %dma_start3A = tpu.memref_slice %arg8[%mul3A_4] : memref<258048xf32, #tpu.memory_space<hbm>> -> memref<8064xf32, #tpu.memory_space<hbm>>
      %dma_start3A_68 = tpu.memref_slice %arg8[%mul3A_4] : memref<258048xf32, #tpu.memory_space<hbm>> -> memref<8064xf32, #tpu.memory_space<hbm>>
      tpu.enqueue_dma source(%arg15 : memref<8064xf32, #tpu.memory_space<vmem>>) target(%dma_start3A_68 : memref<8064xf32, #tpu.memory_space<hbm>>) target_semaphore(%run_scoped3A : memref<!tpu.dma_semaphore, #tpu.memory_space<semaphore_mem>>)
      %dma_wait3A = tpu.memref_slice %arg8[%mul3A_4] : memref<258048xf32, #tpu.memory_space<hbm>> -> memref<8064xf32, #tpu.memory_space<hbm>>
      %dma_wait3A_69 = tpu.memref_slice %arg8[%mul3A_4] : memref<258048xf32, #tpu.memory_space<hbm>> -> memref<8064xf32, #tpu.memory_space<hbm>>
      tpu.wait_dma2 semaphore(%run_scoped3A : memref<!tpu.dma_semaphore, #tpu.memory_space<semaphore_mem>>) src(%arg15 : memref<8064xf32, #tpu.memory_space<vmem>>) dst(%dma_wait3A_69 : memref<8064xf32, #tpu.memory_space<hbm>>)
      tpu.yield
    }) : () -> ()
    return
  }
}

module attributes {stable_mosaic.version = 14 : i64} {
  func.func @_dense_body(%arg0: i32, %arg1: memref<1x2x18x128xf32, #tpu.memory_space<vmem>>, %arg2: memref<1x3x18x128xf32, #tpu.memory_space<vmem>>, %arg3: memref<1x6x18x128xf32, #tpu.memory_space<vmem>>, %arg4: memref<1x1x18x128xi32, #tpu.memory_space<vmem>>, %arg5: memref<1x4x18x128xi8, #tpu.memory_space<vmem>>, %arg6: memref<1x10x18x128xi8, #tpu.memory_space<vmem>>, %arg7: memref<1x50x18x128xi8, #tpu.memory_space<vmem>>, %arg8: memref<1x10x18x128xi8, #tpu.memory_space<vmem>>, %arg9: memref<1x2x18x128xi8, #tpu.memory_space<vmem>>, %arg10: memref<1x1x18x128xi8, #tpu.memory_space<vmem>>, %arg11: memref<1x2x18x128xi8, #tpu.memory_space<vmem>>, %arg12: memref<1x1x18x128xi8, #tpu.memory_space<vmem>>, %arg13: memref<8x5xf32, #tpu.memory_space<smem>>, %arg14: memref<8xf32, #tpu.memory_space<smem>>, %arg15: memref<4x6xf32, #tpu.memory_space<smem>>, %arg16: memref<4xf32, #tpu.memory_space<smem>>, %arg17: memref<1x1x18x128xf32, #tpu.memory_space<vmem>>, %arg18: memref<1x1x18x128xf32, #tpu.memory_space<vmem>>, %arg19: memref<1x1x18x128xf32, #tpu.memory_space<vmem>>, %arg20: memref<1x1x18x128xi32, #tpu.memory_space<vmem>>, %arg21: memref<1x1x18x128xf32, #tpu.memory_space<vmem>>, %arg22: memref<1x6x18x128xf32, #tpu.memory_space<vmem>>) attributes {dimension_semantics = [#tpu.dimension_semantics<arbitrary>], iteration_bounds = array<i64: 256>, scalar_prefetch = 0 : i64, scratch_operands = 0 : i64, tpu.core_type = #tpu.core_type<tc>, window_params = [{transform_indices = @transform_0, window_bounds = array<i64: 1, 2, 18, 128>}, {transform_indices = @transform_1, window_bounds = array<i64: 1, 3, 18, 128>}, {transform_indices = @transform_2, window_bounds = array<i64: 1, 6, 18, 128>}, {transform_indices = @transform_3, window_bounds = array<i64: 1, 1, 18, 128>}, {transform_indices = @transform_4, window_bounds = array<i64: 1, 4, 18, 128>}, {transform_indices = @transform_5, window_bounds = array<i64: 1, 10, 18, 128>}, {transform_indices = @transform_6, window_bounds = array<i64: 1, 50, 18, 128>}, {transform_indices = @transform_7, window_bounds = array<i64: 1, 10, 18, 128>}, {transform_indices = @transform_8, window_bounds = array<i64: 1, 2, 18, 128>}, {transform_indices = @transform_9, window_bounds = array<i64: 1, 1, 18, 128>}, {transform_indices = @transform_10, window_bounds = array<i64: 1, 2, 18, 128>}, {transform_indices = @transform_11, window_bounds = array<i64: 1, 1, 18, 128>}, {transform_indices = @transform_12, window_bounds = array<i64: 8, 5>}, {transform_indices = @transform_13, window_bounds = array<i64: 8>}, {transform_indices = @transform_14, window_bounds = array<i64: 4, 6>}, {transform_indices = @transform_15, window_bounds = array<i64: 4>}, {transform_indices = @transform_16, window_bounds = array<i64: 1, 1, 18, 128>}, {transform_indices = @transform_17, window_bounds = array<i64: 1, 1, 18, 128>}, {transform_indices = @transform_18, window_bounds = array<i64: 1, 1, 18, 128>}, {transform_indices = @transform_19, window_bounds = array<i64: 1, 1, 18, 128>}, {transform_indices = @transform_20, window_bounds = array<i64: 1, 1, 18, 128>}, {transform_indices = @transform_21, window_bounds = array<i64: 1, 6, 18, 128>}]} {
    %get3A = arith.constant 0 : index
    %get3A_0 = arith.constant 0 : index
    %get3A_1 = arith.constant 0 : index
    %get3A_2 = arith.constant 0 : index
    %get3A_3 = vector.load %arg6[%get3A, %get3A_0, %get3A_1, %get3A_2] : memref<1x10x18x128xi8, #tpu.memory_space<vmem>>, vector<1x10x18x128xi8>
    %get3A_4 = vector.shape_cast %get3A_3 : vector<1x10x18x128xi8> to vector<10x18x128xi8>
    %slice3A = vector.extract_strided_slice %get3A_4 {offsets = [0, 0, 0], sizes = [1, 18, 128], strides = [1, 1, 1]} : vector<10x18x128xi8> to vector<1x18x128xi8>
    %squeeze3A = vector.shape_cast %slice3A : vector<1x18x128xi8> to vector<18x128xi8>
    %slice3A_5 = vector.extract_strided_slice %get3A_4 {offsets = [1, 0, 0], sizes = [1, 18, 128], strides = [1, 1, 1]} : vector<10x18x128xi8> to vector<1x18x128xi8>
    %squeeze3A_6 = vector.shape_cast %slice3A_5 : vector<1x18x128xi8> to vector<18x128xi8>
    %slice3A_7 = vector.extract_strided_slice %get3A_4 {offsets = [2, 0, 0], sizes = [1, 18, 128], strides = [1, 1, 1]} : vector<10x18x128xi8> to vector<1x18x128xi8>
    %squeeze3A_8 = vector.shape_cast %slice3A_7 : vector<1x18x128xi8> to vector<18x128xi8>
    %slice3A_9 = vector.extract_strided_slice %get3A_4 {offsets = [3, 0, 0], sizes = [1, 18, 128], strides = [1, 1, 1]} : vector<10x18x128xi8> to vector<1x18x128xi8>
    %squeeze3A_10 = vector.shape_cast %slice3A_9 : vector<1x18x128xi8> to vector<18x128xi8>
    %slice3A_11 = vector.extract_strided_slice %get3A_4 {offsets = [4, 0, 0], sizes = [1, 18, 128], strides = [1, 1, 1]} : vector<10x18x128xi8> to vector<1x18x128xi8>
    %squeeze3A_12 = vector.shape_cast %slice3A_11 : vector<1x18x128xi8> to vector<18x128xi8>
    %slice3A_13 = vector.extract_strided_slice %get3A_4 {offsets = [5, 0, 0], sizes = [1, 18, 128], strides = [1, 1, 1]} : vector<10x18x128xi8> to vector<1x18x128xi8>
    %squeeze3A_14 = vector.shape_cast %slice3A_13 : vector<1x18x128xi8> to vector<18x128xi8>
    %slice3A_15 = vector.extract_strided_slice %get3A_4 {offsets = [6, 0, 0], sizes = [1, 18, 128], strides = [1, 1, 1]} : vector<10x18x128xi8> to vector<1x18x128xi8>
    %squeeze3A_16 = vector.shape_cast %slice3A_15 : vector<1x18x128xi8> to vector<18x128xi8>
    %slice3A_17 = vector.extract_strided_slice %get3A_4 {offsets = [7, 0, 0], sizes = [1, 18, 128], strides = [1, 1, 1]} : vector<10x18x128xi8> to vector<1x18x128xi8>
    %squeeze3A_18 = vector.shape_cast %slice3A_17 : vector<1x18x128xi8> to vector<18x128xi8>
    %slice3A_19 = vector.extract_strided_slice %get3A_4 {offsets = [8, 0, 0], sizes = [1, 18, 128], strides = [1, 1, 1]} : vector<10x18x128xi8> to vector<1x18x128xi8>
    %squeeze3A_20 = vector.shape_cast %slice3A_19 : vector<1x18x128xi8> to vector<18x128xi8>
    %slice3A_21 = vector.extract_strided_slice %get3A_4 {offsets = [9, 0, 0], sizes = [1, 18, 128], strides = [1, 1, 1]} : vector<10x18x128xi8> to vector<1x18x128xi8>
    %squeeze3A_22 = vector.shape_cast %slice3A_21 : vector<1x18x128xi8> to vector<18x128xi8>
    %or3A = arith.ori %squeeze3A, %squeeze3A_6 : vector<18x128xi8>
    %or3A_23 = arith.ori %squeeze3A_8, %squeeze3A_10 : vector<18x128xi8>
    %or3A_24 = arith.ori %squeeze3A_12, %squeeze3A_14 : vector<18x128xi8>
    %or3A_25 = arith.ori %squeeze3A_16, %squeeze3A_18 : vector<18x128xi8>
    %or3A_26 = arith.ori %squeeze3A_20, %squeeze3A_22 : vector<18x128xi8>
    %or3A_27 = arith.ori %or3A, %or3A_23 : vector<18x128xi8>
    %or3A_28 = arith.ori %or3A_24, %or3A_25 : vector<18x128xi8>
    %or3A_29 = arith.ori %or3A_27, %or3A_28 : vector<18x128xi8>
    %or3A_30 = arith.ori %or3A_29, %or3A_26 : vector<18x128xi8>
    %get3A_31 = arith.constant 0 : index
    %get3A_32 = arith.constant 0 : index
    %get3A_33 = arith.constant 0 : index
    %get3A_34 = arith.constant 0 : index
    %get3A_35 = vector.load %arg7[%get3A_31, %get3A_32, %get3A_33, %get3A_34] : memref<1x50x18x128xi8, #tpu.memory_space<vmem>>, vector<1x50x18x128xi8>
    %get3A_36 = vector.shape_cast %get3A_35 : vector<1x50x18x128xi8> to vector<50x18x128xi8>
    %slice3A_37 = vector.extract_strided_slice %get3A_36 {offsets = [0, 0, 0], sizes = [1, 18, 128], strides = [1, 1, 1]} : vector<50x18x128xi8> to vector<1x18x128xi8>
    %squeeze3A_38 = vector.shape_cast %slice3A_37 : vector<1x18x128xi8> to vector<18x128xi8>
    %slice3A_39 = vector.extract_strided_slice %get3A_36 {offsets = [1, 0, 0], sizes = [1, 18, 128], strides = [1, 1, 1]} : vector<50x18x128xi8> to vector<1x18x128xi8>
    %squeeze3A_40 = vector.shape_cast %slice3A_39 : vector<1x18x128xi8> to vector<18x128xi8>
    %slice3A_41 = vector.extract_strided_slice %get3A_36 {offsets = [2, 0, 0], sizes = [1, 18, 128], strides = [1, 1, 1]} : vector<50x18x128xi8> to vector<1x18x128xi8>
    %squeeze3A_42 = vector.shape_cast %slice3A_41 : vector<1x18x128xi8> to vector<18x128xi8>
    %slice3A_43 = vector.extract_strided_slice %get3A_36 {offsets = [3, 0, 0], sizes = [1, 18, 128], strides = [1, 1, 1]} : vector<50x18x128xi8> to vector<1x18x128xi8>
    %squeeze3A_44 = vector.shape_cast %slice3A_43 : vector<1x18x128xi8> to vector<18x128xi8>
    %slice3A_45 = vector.extract_strided_slice %get3A_36 {offsets = [4, 0, 0], sizes = [1, 18, 128], strides = [1, 1, 1]} : vector<50x18x128xi8> to vector<1x18x128xi8>
    %squeeze3A_46 = vector.shape_cast %slice3A_45 : vector<1x18x128xi8> to vector<18x128xi8>
    %slice3A_47 = vector.extract_strided_slice %get3A_36 {offsets = [5, 0, 0], sizes = [1, 18, 128], strides = [1, 1, 1]} : vector<50x18x128xi8> to vector<1x18x128xi8>
    %squeeze3A_48 = vector.shape_cast %slice3A_47 : vector<1x18x128xi8> to vector<18x128xi8>
    %slice3A_49 = vector.extract_strided_slice %get3A_36 {offsets = [6, 0, 0], sizes = [1, 18, 128], strides = [1, 1, 1]} : vector<50x18x128xi8> to vector<1x18x128xi8>
    %squeeze3A_50 = vector.shape_cast %slice3A_49 : vector<1x18x128xi8> to vector<18x128xi8>
    %slice3A_51 = vector.extract_strided_slice %get3A_36 {offsets = [7, 0, 0], sizes = [1, 18, 128], strides = [1, 1, 1]} : vector<50x18x128xi8> to vector<1x18x128xi8>
    %squeeze3A_52 = vector.shape_cast %slice3A_51 : vector<1x18x128xi8> to vector<18x128xi8>
    %slice3A_53 = vector.extract_strided_slice %get3A_36 {offsets = [8, 0, 0], sizes = [1, 18, 128], strides = [1, 1, 1]} : vector<50x18x128xi8> to vector<1x18x128xi8>
    %squeeze3A_54 = vector.shape_cast %slice3A_53 : vector<1x18x128xi8> to vector<18x128xi8>
    %slice3A_55 = vector.extract_strided_slice %get3A_36 {offsets = [9, 0, 0], sizes = [1, 18, 128], strides = [1, 1, 1]} : vector<50x18x128xi8> to vector<1x18x128xi8>
    %squeeze3A_56 = vector.shape_cast %slice3A_55 : vector<1x18x128xi8> to vector<18x128xi8>
    %slice3A_57 = vector.extract_strided_slice %get3A_36 {offsets = [10, 0, 0], sizes = [1, 18, 128], strides = [1, 1, 1]} : vector<50x18x128xi8> to vector<1x18x128xi8>
    %squeeze3A_58 = vector.shape_cast %slice3A_57 : vector<1x18x128xi8> to vector<18x128xi8>
    %slice3A_59 = vector.extract_strided_slice %get3A_36 {offsets = [11, 0, 0], sizes = [1, 18, 128], strides = [1, 1, 1]} : vector<50x18x128xi8> to vector<1x18x128xi8>
    %squeeze3A_60 = vector.shape_cast %slice3A_59 : vector<1x18x128xi8> to vector<18x128xi8>
    %slice3A_61 = vector.extract_strided_slice %get3A_36 {offsets = [12, 0, 0], sizes = [1, 18, 128], strides = [1, 1, 1]} : vector<50x18x128xi8> to vector<1x18x128xi8>
    %squeeze3A_62 = vector.shape_cast %slice3A_61 : vector<1x18x128xi8> to vector<18x128xi8>
    %slice3A_63 = vector.extract_strided_slice %get3A_36 {offsets = [13, 0, 0], sizes = [1, 18, 128], strides = [1, 1, 1]} : vector<50x18x128xi8> to vector<1x18x128xi8>
    %squeeze3A_64 = vector.shape_cast %slice3A_63 : vector<1x18x128xi8> to vector<18x128xi8>
    %slice3A_65 = vector.extract_strided_slice %get3A_36 {offsets = [14, 0, 0], sizes = [1, 18, 128], strides = [1, 1, 1]} : vector<50x18x128xi8> to vector<1x18x128xi8>
    %squeeze3A_66 = vector.shape_cast %slice3A_65 : vector<1x18x128xi8> to vector<18x128xi8>
    %slice3A_67 = vector.extract_strided_slice %get3A_36 {offsets = [15, 0, 0], sizes = [1, 18, 128], strides = [1, 1, 1]} : vector<50x18x128xi8> to vector<1x18x128xi8>
    %squeeze3A_68 = vector.shape_cast %slice3A_67 : vector<1x18x128xi8> to vector<18x128xi8>
    %slice3A_69 = vector.extract_strided_slice %get3A_36 {offsets = [16, 0, 0], sizes = [1, 18, 128], strides = [1, 1, 1]} : vector<50x18x128xi8> to vector<1x18x128xi8>
    %squeeze3A_70 = vector.shape_cast %slice3A_69 : vector<1x18x128xi8> to vector<18x128xi8>
    %slice3A_71 = vector.extract_strided_slice %get3A_36 {offsets = [17, 0, 0], sizes = [1, 18, 128], strides = [1, 1, 1]} : vector<50x18x128xi8> to vector<1x18x128xi8>
    %squeeze3A_72 = vector.shape_cast %slice3A_71 : vector<1x18x128xi8> to vector<18x128xi8>
    %slice3A_73 = vector.extract_strided_slice %get3A_36 {offsets = [18, 0, 0], sizes = [1, 18, 128], strides = [1, 1, 1]} : vector<50x18x128xi8> to vector<1x18x128xi8>
    %squeeze3A_74 = vector.shape_cast %slice3A_73 : vector<1x18x128xi8> to vector<18x128xi8>
    %slice3A_75 = vector.extract_strided_slice %get3A_36 {offsets = [19, 0, 0], sizes = [1, 18, 128], strides = [1, 1, 1]} : vector<50x18x128xi8> to vector<1x18x128xi8>
    %squeeze3A_76 = vector.shape_cast %slice3A_75 : vector<1x18x128xi8> to vector<18x128xi8>
    %slice3A_77 = vector.extract_strided_slice %get3A_36 {offsets = [20, 0, 0], sizes = [1, 18, 128], strides = [1, 1, 1]} : vector<50x18x128xi8> to vector<1x18x128xi8>
    %squeeze3A_78 = vector.shape_cast %slice3A_77 : vector<1x18x128xi8> to vector<18x128xi8>
    %slice3A_79 = vector.extract_strided_slice %get3A_36 {offsets = [21, 0, 0], sizes = [1, 18, 128], strides = [1, 1, 1]} : vector<50x18x128xi8> to vector<1x18x128xi8>
    %squeeze3A_80 = vector.shape_cast %slice3A_79 : vector<1x18x128xi8> to vector<18x128xi8>
    %slice3A_81 = vector.extract_strided_slice %get3A_36 {offsets = [22, 0, 0], sizes = [1, 18, 128], strides = [1, 1, 1]} : vector<50x18x128xi8> to vector<1x18x128xi8>
    %squeeze3A_82 = vector.shape_cast %slice3A_81 : vector<1x18x128xi8> to vector<18x128xi8>
    %slice3A_83 = vector.extract_strided_slice %get3A_36 {offsets = [23, 0, 0], sizes = [1, 18, 128], strides = [1, 1, 1]} : vector<50x18x128xi8> to vector<1x18x128xi8>
    %squeeze3A_84 = vector.shape_cast %slice3A_83 : vector<1x18x128xi8> to vector<18x128xi8>
    %slice3A_85 = vector.extract_strided_slice %get3A_36 {offsets = [24, 0, 0], sizes = [1, 18, 128], strides = [1, 1, 1]} : vector<50x18x128xi8> to vector<1x18x128xi8>
    %squeeze3A_86 = vector.shape_cast %slice3A_85 : vector<1x18x128xi8> to vector<18x128xi8>
    %slice3A_87 = vector.extract_strided_slice %get3A_36 {offsets = [25, 0, 0], sizes = [1, 18, 128], strides = [1, 1, 1]} : vector<50x18x128xi8> to vector<1x18x128xi8>
    %squeeze3A_88 = vector.shape_cast %slice3A_87 : vector<1x18x128xi8> to vector<18x128xi8>
    %slice3A_89 = vector.extract_strided_slice %get3A_36 {offsets = [26, 0, 0], sizes = [1, 18, 128], strides = [1, 1, 1]} : vector<50x18x128xi8> to vector<1x18x128xi8>
    %squeeze3A_90 = vector.shape_cast %slice3A_89 : vector<1x18x128xi8> to vector<18x128xi8>
    %slice3A_91 = vector.extract_strided_slice %get3A_36 {offsets = [27, 0, 0], sizes = [1, 18, 128], strides = [1, 1, 1]} : vector<50x18x128xi8> to vector<1x18x128xi8>
    %squeeze3A_92 = vector.shape_cast %slice3A_91 : vector<1x18x128xi8> to vector<18x128xi8>
    %slice3A_93 = vector.extract_strided_slice %get3A_36 {offsets = [28, 0, 0], sizes = [1, 18, 128], strides = [1, 1, 1]} : vector<50x18x128xi8> to vector<1x18x128xi8>
    %squeeze3A_94 = vector.shape_cast %slice3A_93 : vector<1x18x128xi8> to vector<18x128xi8>
    %slice3A_95 = vector.extract_strided_slice %get3A_36 {offsets = [29, 0, 0], sizes = [1, 18, 128], strides = [1, 1, 1]} : vector<50x18x128xi8> to vector<1x18x128xi8>
    %squeeze3A_96 = vector.shape_cast %slice3A_95 : vector<1x18x128xi8> to vector<18x128xi8>
    %slice3A_97 = vector.extract_strided_slice %get3A_36 {offsets = [30, 0, 0], sizes = [1, 18, 128], strides = [1, 1, 1]} : vector<50x18x128xi8> to vector<1x18x128xi8>
    %squeeze3A_98 = vector.shape_cast %slice3A_97 : vector<1x18x128xi8> to vector<18x128xi8>
    %slice3A_99 = vector.extract_strided_slice %get3A_36 {offsets = [31, 0, 0], sizes = [1, 18, 128], strides = [1, 1, 1]} : vector<50x18x128xi8> to vector<1x18x128xi8>
    %squeeze3A_100 = vector.shape_cast %slice3A_99 : vector<1x18x128xi8> to vector<18x128xi8>
    %slice3A_101 = vector.extract_strided_slice %get3A_36 {offsets = [32, 0, 0], sizes = [1, 18, 128], strides = [1, 1, 1]} : vector<50x18x128xi8> to vector<1x18x128xi8>
    %squeeze3A_102 = vector.shape_cast %slice3A_101 : vector<1x18x128xi8> to vector<18x128xi8>
    %slice3A_103 = vector.extract_strided_slice %get3A_36 {offsets = [33, 0, 0], sizes = [1, 18, 128], strides = [1, 1, 1]} : vector<50x18x128xi8> to vector<1x18x128xi8>
    %squeeze3A_104 = vector.shape_cast %slice3A_103 : vector<1x18x128xi8> to vector<18x128xi8>
    %slice3A_105 = vector.extract_strided_slice %get3A_36 {offsets = [34, 0, 0], sizes = [1, 18, 128], strides = [1, 1, 1]} : vector<50x18x128xi8> to vector<1x18x128xi8>
    %squeeze3A_106 = vector.shape_cast %slice3A_105 : vector<1x18x128xi8> to vector<18x128xi8>
    %slice3A_107 = vector.extract_strided_slice %get3A_36 {offsets = [35, 0, 0], sizes = [1, 18, 128], strides = [1, 1, 1]} : vector<50x18x128xi8> to vector<1x18x128xi8>
    %squeeze3A_108 = vector.shape_cast %slice3A_107 : vector<1x18x128xi8> to vector<18x128xi8>
    %slice3A_109 = vector.extract_strided_slice %get3A_36 {offsets = [36, 0, 0], sizes = [1, 18, 128], strides = [1, 1, 1]} : vector<50x18x128xi8> to vector<1x18x128xi8>
    %squeeze3A_110 = vector.shape_cast %slice3A_109 : vector<1x18x128xi8> to vector<18x128xi8>
    %slice3A_111 = vector.extract_strided_slice %get3A_36 {offsets = [37, 0, 0], sizes = [1, 18, 128], strides = [1, 1, 1]} : vector<50x18x128xi8> to vector<1x18x128xi8>
    %squeeze3A_112 = vector.shape_cast %slice3A_111 : vector<1x18x128xi8> to vector<18x128xi8>
    %slice3A_113 = vector.extract_strided_slice %get3A_36 {offsets = [38, 0, 0], sizes = [1, 18, 128], strides = [1, 1, 1]} : vector<50x18x128xi8> to vector<1x18x128xi8>
    %squeeze3A_114 = vector.shape_cast %slice3A_113 : vector<1x18x128xi8> to vector<18x128xi8>
    %slice3A_115 = vector.extract_strided_slice %get3A_36 {offsets = [39, 0, 0], sizes = [1, 18, 128], strides = [1, 1, 1]} : vector<50x18x128xi8> to vector<1x18x128xi8>
    %squeeze3A_116 = vector.shape_cast %slice3A_115 : vector<1x18x128xi8> to vector<18x128xi8>
    %slice3A_117 = vector.extract_strided_slice %get3A_36 {offsets = [40, 0, 0], sizes = [1, 18, 128], strides = [1, 1, 1]} : vector<50x18x128xi8> to vector<1x18x128xi8>
    %squeeze3A_118 = vector.shape_cast %slice3A_117 : vector<1x18x128xi8> to vector<18x128xi8>
    %slice3A_119 = vector.extract_strided_slice %get3A_36 {offsets = [41, 0, 0], sizes = [1, 18, 128], strides = [1, 1, 1]} : vector<50x18x128xi8> to vector<1x18x128xi8>
    %squeeze3A_120 = vector.shape_cast %slice3A_119 : vector<1x18x128xi8> to vector<18x128xi8>
    %slice3A_121 = vector.extract_strided_slice %get3A_36 {offsets = [42, 0, 0], sizes = [1, 18, 128], strides = [1, 1, 1]} : vector<50x18x128xi8> to vector<1x18x128xi8>
    %squeeze3A_122 = vector.shape_cast %slice3A_121 : vector<1x18x128xi8> to vector<18x128xi8>
    %slice3A_123 = vector.extract_strided_slice %get3A_36 {offsets = [43, 0, 0], sizes = [1, 18, 128], strides = [1, 1, 1]} : vector<50x18x128xi8> to vector<1x18x128xi8>
    %squeeze3A_124 = vector.shape_cast %slice3A_123 : vector<1x18x128xi8> to vector<18x128xi8>
    %slice3A_125 = vector.extract_strided_slice %get3A_36 {offsets = [44, 0, 0], sizes = [1, 18, 128], strides = [1, 1, 1]} : vector<50x18x128xi8> to vector<1x18x128xi8>
    %squeeze3A_126 = vector.shape_cast %slice3A_125 : vector<1x18x128xi8> to vector<18x128xi8>
    %slice3A_127 = vector.extract_strided_slice %get3A_36 {offsets = [45, 0, 0], sizes = [1, 18, 128], strides = [1, 1, 1]} : vector<50x18x128xi8> to vector<1x18x128xi8>
    %squeeze3A_128 = vector.shape_cast %slice3A_127 : vector<1x18x128xi8> to vector<18x128xi8>
    %slice3A_129 = vector.extract_strided_slice %get3A_36 {offsets = [46, 0, 0], sizes = [1, 18, 128], strides = [1, 1, 1]} : vector<50x18x128xi8> to vector<1x18x128xi8>
    %squeeze3A_130 = vector.shape_cast %slice3A_129 : vector<1x18x128xi8> to vector<18x128xi8>
    %slice3A_131 = vector.extract_strided_slice %get3A_36 {offsets = [47, 0, 0], sizes = [1, 18, 128], strides = [1, 1, 1]} : vector<50x18x128xi8> to vector<1x18x128xi8>
    %squeeze3A_132 = vector.shape_cast %slice3A_131 : vector<1x18x128xi8> to vector<18x128xi8>
    %slice3A_133 = vector.extract_strided_slice %get3A_36 {offsets = [48, 0, 0], sizes = [1, 18, 128], strides = [1, 1, 1]} : vector<50x18x128xi8> to vector<1x18x128xi8>
    %squeeze3A_134 = vector.shape_cast %slice3A_133 : vector<1x18x128xi8> to vector<18x128xi8>
    %slice3A_135 = vector.extract_strided_slice %get3A_36 {offsets = [49, 0, 0], sizes = [1, 18, 128], strides = [1, 1, 1]} : vector<50x18x128xi8> to vector<1x18x128xi8>
    %squeeze3A_136 = vector.shape_cast %slice3A_135 : vector<1x18x128xi8> to vector<18x128xi8>
    %or3A_137 = arith.ori %squeeze3A_38, %squeeze3A_40 : vector<18x128xi8>
    %or3A_138 = arith.ori %squeeze3A_42, %squeeze3A_44 : vector<18x128xi8>
    %or3A_139 = arith.ori %squeeze3A_46, %squeeze3A_48 : vector<18x128xi8>
    %or3A_140 = arith.ori %squeeze3A_50, %squeeze3A_52 : vector<18x128xi8>
    %or3A_141 = arith.ori %squeeze3A_54, %squeeze3A_56 : vector<18x128xi8>
    %or3A_142 = arith.ori %squeeze3A_58, %squeeze3A_60 : vector<18x128xi8>
    %or3A_143 = arith.ori %squeeze3A_62, %squeeze3A_64 : vector<18x128xi8>
    %or3A_144 = arith.ori %squeeze3A_66, %squeeze3A_68 : vector<18x128xi8>
    %or3A_145 = arith.ori %squeeze3A_70, %squeeze3A_72 : vector<18x128xi8>
    %or3A_146 = arith.ori %squeeze3A_74, %squeeze3A_76 : vector<18x128xi8>
    %or3A_147 = arith.ori %squeeze3A_78, %squeeze3A_80 : vector<18x128xi8>
    %or3A_148 = arith.ori %squeeze3A_82, %squeeze3A_84 : vector<18x128xi8>
    %or3A_149 = arith.ori %squeeze3A_86, %squeeze3A_88 : vector<18x128xi8>
    %or3A_150 = arith.ori %squeeze3A_90, %squeeze3A_92 : vector<18x128xi8>
    %or3A_151 = arith.ori %squeeze3A_94, %squeeze3A_96 : vector<18x128xi8>
    %or3A_152 = arith.ori %squeeze3A_98, %squeeze3A_100 : vector<18x128xi8>
    %or3A_153 = arith.ori %squeeze3A_102, %squeeze3A_104 : vector<18x128xi8>
    %or3A_154 = arith.ori %squeeze3A_106, %squeeze3A_108 : vector<18x128xi8>
    %or3A_155 = arith.ori %squeeze3A_110, %squeeze3A_112 : vector<18x128xi8>
    %or3A_156 = arith.ori %squeeze3A_114, %squeeze3A_116 : vector<18x128xi8>
    %or3A_157 = arith.ori %squeeze3A_118, %squeeze3A_120 : vector<18x128xi8>
    %or3A_158 = arith.ori %squeeze3A_122, %squeeze3A_124 : vector<18x128xi8>
    %or3A_159 = arith.ori %squeeze3A_126, %squeeze3A_128 : vector<18x128xi8>
    %or3A_160 = arith.ori %squeeze3A_130, %squeeze3A_132 : vector<18x128xi8>
    %or3A_161 = arith.ori %squeeze3A_134, %squeeze3A_136 : vector<18x128xi8>
    %or3A_162 = arith.ori %or3A_137, %or3A_138 : vector<18x128xi8>
    %or3A_163 = arith.ori %or3A_139, %or3A_140 : vector<18x128xi8>
    %or3A_164 = arith.ori %or3A_141, %or3A_142 : vector<18x128xi8>
    %or3A_165 = arith.ori %or3A_143, %or3A_144 : vector<18x128xi8>
    %or3A_166 = arith.ori %or3A_145, %or3A_146 : vector<18x128xi8>
    %or3A_167 = arith.ori %or3A_147, %or3A_148 : vector<18x128xi8>
    %or3A_168 = arith.ori %or3A_149, %or3A_150 : vector<18x128xi8>
    %or3A_169 = arith.ori %or3A_151, %or3A_152 : vector<18x128xi8>
    %or3A_170 = arith.ori %or3A_153, %or3A_154 : vector<18x128xi8>
    %or3A_171 = arith.ori %or3A_155, %or3A_156 : vector<18x128xi8>
    %or3A_172 = arith.ori %or3A_157, %or3A_158 : vector<18x128xi8>
    %or3A_173 = arith.ori %or3A_159, %or3A_160 : vector<18x128xi8>
    %or3A_174 = arith.ori %or3A_162, %or3A_163 : vector<18x128xi8>
    %or3A_175 = arith.ori %or3A_164, %or3A_165 : vector<18x128xi8>
    %or3A_176 = arith.ori %or3A_166, %or3A_167 : vector<18x128xi8>
    %or3A_177 = arith.ori %or3A_168, %or3A_169 : vector<18x128xi8>
    %or3A_178 = arith.ori %or3A_170, %or3A_171 : vector<18x128xi8>
    %or3A_179 = arith.ori %or3A_172, %or3A_173 : vector<18x128xi8>
    %or3A_180 = arith.ori %or3A_174, %or3A_175 : vector<18x128xi8>
    %or3A_181 = arith.ori %or3A_176, %or3A_177 : vector<18x128xi8>
    %or3A_182 = arith.ori %or3A_178, %or3A_179 : vector<18x128xi8>
    %or3A_183 = arith.ori %or3A_180, %or3A_181 : vector<18x128xi8>
    %or3A_184 = arith.ori %or3A_182, %or3A_161 : vector<18x128xi8>
    %or3A_185 = arith.ori %or3A_183, %or3A_184 : vector<18x128xi8>
    %get3A_186 = arith.constant 0 : index
    %get3A_187 = arith.constant 0 : index
    %get3A_188 = arith.constant 0 : index
    %get3A_189 = arith.constant 0 : index
    %get3A_190 = vector.load %arg8[%get3A_186, %get3A_187, %get3A_188, %get3A_189] : memref<1x10x18x128xi8, #tpu.memory_space<vmem>>, vector<1x10x18x128xi8>
    %get3A_191 = vector.shape_cast %get3A_190 : vector<1x10x18x128xi8> to vector<10x18x128xi8>
    %slice3A_192 = vector.extract_strided_slice %get3A_191 {offsets = [0, 0, 0], sizes = [1, 18, 128], strides = [1, 1, 1]} : vector<10x18x128xi8> to vector<1x18x128xi8>
    %squeeze3A_193 = vector.shape_cast %slice3A_192 : vector<1x18x128xi8> to vector<18x128xi8>
    %slice3A_194 = vector.extract_strided_slice %get3A_191 {offsets = [1, 0, 0], sizes = [1, 18, 128], strides = [1, 1, 1]} : vector<10x18x128xi8> to vector<1x18x128xi8>
    %squeeze3A_195 = vector.shape_cast %slice3A_194 : vector<1x18x128xi8> to vector<18x128xi8>
    %slice3A_196 = vector.extract_strided_slice %get3A_191 {offsets = [2, 0, 0], sizes = [1, 18, 128], strides = [1, 1, 1]} : vector<10x18x128xi8> to vector<1x18x128xi8>
    %squeeze3A_197 = vector.shape_cast %slice3A_196 : vector<1x18x128xi8> to vector<18x128xi8>
    %slice3A_198 = vector.extract_strided_slice %get3A_191 {offsets = [3, 0, 0], sizes = [1, 18, 128], strides = [1, 1, 1]} : vector<10x18x128xi8> to vector<1x18x128xi8>
    %squeeze3A_199 = vector.shape_cast %slice3A_198 : vector<1x18x128xi8> to vector<18x128xi8>
    %slice3A_200 = vector.extract_strided_slice %get3A_191 {offsets = [4, 0, 0], sizes = [1, 18, 128], strides = [1, 1, 1]} : vector<10x18x128xi8> to vector<1x18x128xi8>
    %squeeze3A_201 = vector.shape_cast %slice3A_200 : vector<1x18x128xi8> to vector<18x128xi8>
    %slice3A_202 = vector.extract_strided_slice %get3A_191 {offsets = [5, 0, 0], sizes = [1, 18, 128], strides = [1, 1, 1]} : vector<10x18x128xi8> to vector<1x18x128xi8>
    %squeeze3A_203 = vector.shape_cast %slice3A_202 : vector<1x18x128xi8> to vector<18x128xi8>
    %slice3A_204 = vector.extract_strided_slice %get3A_191 {offsets = [6, 0, 0], sizes = [1, 18, 128], strides = [1, 1, 1]} : vector<10x18x128xi8> to vector<1x18x128xi8>
    %squeeze3A_205 = vector.shape_cast %slice3A_204 : vector<1x18x128xi8> to vector<18x128xi8>
    %slice3A_206 = vector.extract_strided_slice %get3A_191 {offsets = [7, 0, 0], sizes = [1, 18, 128], strides = [1, 1, 1]} : vector<10x18x128xi8> to vector<1x18x128xi8>
    %squeeze3A_207 = vector.shape_cast %slice3A_206 : vector<1x18x128xi8> to vector<18x128xi8>
    %slice3A_208 = vector.extract_strided_slice %get3A_191 {offsets = [8, 0, 0], sizes = [1, 18, 128], strides = [1, 1, 1]} : vector<10x18x128xi8> to vector<1x18x128xi8>
    %squeeze3A_209 = vector.shape_cast %slice3A_208 : vector<1x18x128xi8> to vector<18x128xi8>
    %slice3A_210 = vector.extract_strided_slice %get3A_191 {offsets = [9, 0, 0], sizes = [1, 18, 128], strides = [1, 1, 1]} : vector<10x18x128xi8> to vector<1x18x128xi8>
    %squeeze3A_211 = vector.shape_cast %slice3A_210 : vector<1x18x128xi8> to vector<18x128xi8>
    %or3A_212 = arith.ori %squeeze3A_193, %squeeze3A_195 : vector<18x128xi8>
    %or3A_213 = arith.ori %squeeze3A_197, %squeeze3A_199 : vector<18x128xi8>
    %or3A_214 = arith.ori %squeeze3A_201, %squeeze3A_203 : vector<18x128xi8>
    %or3A_215 = arith.ori %squeeze3A_205, %squeeze3A_207 : vector<18x128xi8>
    %or3A_216 = arith.ori %squeeze3A_209, %squeeze3A_211 : vector<18x128xi8>
    %or3A_217 = arith.ori %or3A_212, %or3A_213 : vector<18x128xi8>
    %or3A_218 = arith.ori %or3A_214, %or3A_215 : vector<18x128xi8>
    %or3A_219 = arith.ori %or3A_217, %or3A_218 : vector<18x128xi8>
    %or3A_220 = arith.ori %or3A_219, %or3A_216 : vector<18x128xi8>
    %get3A_221 = arith.constant 0 : index
    %get3A_222 = arith.constant 0 : index
    %get3A_223 = arith.constant 0 : index
    %get3A_224 = arith.constant 0 : index
    %get3A_225 = vector.load %arg9[%get3A_221, %get3A_222, %get3A_223, %get3A_224] : memref<1x2x18x128xi8, #tpu.memory_space<vmem>>, vector<1x2x18x128xi8>
    %get3A_226 = vector.shape_cast %get3A_225 : vector<1x2x18x128xi8> to vector<2x18x128xi8>
    %slice3A_227 = vector.extract_strided_slice %get3A_226 {offsets = [0, 0, 0], sizes = [1, 18, 128], strides = [1, 1, 1]} : vector<2x18x128xi8> to vector<1x18x128xi8>
    %squeeze3A_228 = vector.shape_cast %slice3A_227 : vector<1x18x128xi8> to vector<18x128xi8>
    %slice3A_229 = vector.extract_strided_slice %get3A_226 {offsets = [1, 0, 0], sizes = [1, 18, 128], strides = [1, 1, 1]} : vector<2x18x128xi8> to vector<1x18x128xi8>
    %squeeze3A_230 = vector.shape_cast %slice3A_229 : vector<1x18x128xi8> to vector<18x128xi8>
    %or3A_231 = arith.ori %squeeze3A_228, %squeeze3A_230 : vector<18x128xi8>
    %get3A_232 = arith.constant 0 : index
    %get3A_233 = arith.constant 0 : index
    %get3A_234 = arith.constant 0 : index
    %get3A_235 = arith.constant 0 : index
    %get3A_236 = vector.load %arg10[%get3A_232, %get3A_233, %get3A_234, %get3A_235] : memref<1x1x18x128xi8, #tpu.memory_space<vmem>>, vector<1x1x18x128xi8>
    %get3A_237 = vector.shape_cast %get3A_236 : vector<1x1x18x128xi8> to vector<18x128xi8>
    %get3A_238 = arith.constant 0 : index
    %get3A_239 = arith.constant 0 : index
    %get3A_240 = arith.constant 0 : index
    %get3A_241 = arith.constant 0 : index
    %get3A_242 = vector.load %arg11[%get3A_238, %get3A_239, %get3A_240, %get3A_241] : memref<1x2x18x128xi8, #tpu.memory_space<vmem>>, vector<1x2x18x128xi8>
    %get3A_243 = vector.shape_cast %get3A_242 : vector<1x2x18x128xi8> to vector<2x18x128xi8>
    %slice3A_244 = vector.extract_strided_slice %get3A_243 {offsets = [0, 0, 0], sizes = [1, 18, 128], strides = [1, 1, 1]} : vector<2x18x128xi8> to vector<1x18x128xi8>
    %squeeze3A_245 = vector.shape_cast %slice3A_244 : vector<1x18x128xi8> to vector<18x128xi8>
    %slice3A_246 = vector.extract_strided_slice %get3A_243 {offsets = [1, 0, 0], sizes = [1, 18, 128], strides = [1, 1, 1]} : vector<2x18x128xi8> to vector<1x18x128xi8>
    %squeeze3A_247 = vector.shape_cast %slice3A_246 : vector<1x18x128xi8> to vector<18x128xi8>
    %or3A_248 = arith.ori %squeeze3A_245, %squeeze3A_247 : vector<18x128xi8>
    %get3A_249 = arith.constant 0 : index
    %get3A_250 = arith.constant 0 : index
    %get3A_251 = arith.constant 0 : index
    %get3A_252 = arith.constant 0 : index
    %get3A_253 = vector.load %arg12[%get3A_249, %get3A_250, %get3A_251, %get3A_252] : memref<1x1x18x128xi8, #tpu.memory_space<vmem>>, vector<1x1x18x128xi8>
    %get3A_254 = vector.shape_cast %get3A_253 : vector<1x1x18x128xi8> to vector<18x128xi8>
    %convert_element_type3A = arith.extsi %or3A_30 : vector<18x128xi8> to vector<18x128xi32>
    %ne3A = arith.constant 0 : i32
    %ne3A_255 = vector.broadcast %ne3A : i32 to vector<18x128xi32>
    %ne3A_256 = arith.cmpi ne, %convert_element_type3A, %ne3A_255 : vector<18x128xi32>
    %convert_element_type3A_257 = arith.extsi %or3A_185 : vector<18x128xi8> to vector<18x128xi32>
    %ne3A_258 = arith.constant 0 : i32
    %ne3A_259 = vector.broadcast %ne3A_258 : i32 to vector<18x128xi32>
    %ne3A_260 = arith.cmpi ne, %convert_element_type3A_257, %ne3A_259 : vector<18x128xi32>
    %convert_element_type3A_261 = arith.extsi %or3A_220 : vector<18x128xi8> to vector<18x128xi32>
    %ne3A_262 = arith.constant 0 : i32
    %ne3A_263 = vector.broadcast %ne3A_262 : i32 to vector<18x128xi32>
    %ne3A_264 = arith.cmpi ne, %convert_element_type3A_261, %ne3A_263 : vector<18x128xi32>
    %convert_element_type3A_265 = arith.extsi %or3A_231 : vector<18x128xi8> to vector<18x128xi32>
    %ne3A_266 = arith.constant 0 : i32
    %ne3A_267 = vector.broadcast %ne3A_266 : i32 to vector<18x128xi32>
    %ne3A_268 = arith.cmpi ne, %convert_element_type3A_265, %ne3A_267 : vector<18x128xi32>
    %convert_element_type3A_269 = arith.extsi %get3A_237 : vector<18x128xi8> to vector<18x128xi32>
    %ne3A_270 = arith.constant 0 : i32
    %ne3A_271 = vector.broadcast %ne3A_270 : i32 to vector<18x128xi32>
    %ne3A_272 = arith.cmpi ne, %convert_element_type3A_269, %ne3A_271 : vector<18x128xi32>
    %convert_element_type3A_273 = arith.extsi %or3A_248 : vector<18x128xi8> to vector<18x128xi32>
    %ne3A_274 = arith.constant 0 : i32
    %ne3A_275 = vector.broadcast %ne3A_274 : i32 to vector<18x128xi32>
    %ne3A_276 = arith.cmpi ne, %convert_element_type3A_273, %ne3A_275 : vector<18x128xi32>
    %convert_element_type3A_277 = arith.extsi %get3A_254 : vector<18x128xi8> to vector<18x128xi32>
    %ne3A_278 = arith.constant 0 : i32
    %ne3A_279 = vector.broadcast %ne3A_278 : i32 to vector<18x128xi32>
    %ne3A_280 = arith.cmpi ne, %convert_element_type3A_277, %ne3A_279 : vector<18x128xi32>
    %or3A_281 = arith.ori %or3A_30, %or3A_185 : vector<18x128xi8>
    %or3A_282 = arith.ori %or3A_220, %or3A_231 : vector<18x128xi8>
    %or3A_283 = arith.ori %get3A_237, %or3A_248 : vector<18x128xi8>
    %or3A_284 = arith.ori %or3A_281, %or3A_282 : vector<18x128xi8>
    %or3A_285 = arith.ori %or3A_283, %get3A_254 : vector<18x128xi8>
    %or3A_286 = arith.ori %or3A_284, %or3A_285 : vector<18x128xi8>
    %convert_element_type3A_287 = arith.extsi %or3A_286 : vector<18x128xi8> to vector<18x128xi32>
    %ne3A_288 = arith.constant 0 : i32
    %ne3A_289 = vector.broadcast %ne3A_288 : i32 to vector<18x128xi32>
    %ne3A_290 = arith.cmpi ne, %convert_element_type3A_287, %ne3A_289 : vector<18x128xi32>
    %get3A_291 = arith.constant 0 : index
    %get3A_292 = arith.constant 0 : index
    %get3A_293 = arith.constant 0 : index
    %get3A_294 = arith.constant 0 : index
    %get3A_295 = vector.load %arg1[%get3A_291, %get3A_292, %get3A_293, %get3A_294] : memref<1x2x18x128xf32, #tpu.memory_space<vmem>>, vector<1x1x18x128xf32>
    %get3A_296 = vector.shape_cast %get3A_295 : vector<1x1x18x128xf32> to vector<18x128xf32>
    %get3A_297 = arith.constant 0 : index
    %get3A_298 = arith.constant 1 : index
    %get3A_299 = arith.constant 0 : index
    %get3A_300 = arith.constant 0 : index
    %get3A_301 = vector.load %arg1[%get3A_297, %get3A_298, %get3A_299, %get3A_300] : memref<1x2x18x128xf32, #tpu.memory_space<vmem>>, vector<1x1x18x128xf32>
    %get3A_302 = vector.shape_cast %get3A_301 : vector<1x1x18x128xf32> to vector<18x128xf32>
    %get3A_303 = arith.constant 0 : index
    %get3A_304 = arith.constant 0 : index
    %get3A_305 = arith.constant 0 : index
    %get3A_306 = arith.constant 0 : index
    %get3A_307 = vector.load %arg2[%get3A_303, %get3A_304, %get3A_305, %get3A_306] : memref<1x3x18x128xf32, #tpu.memory_space<vmem>>, vector<1x1x18x128xf32>
    %get3A_308 = vector.shape_cast %get3A_307 : vector<1x1x18x128xf32> to vector<18x128xf32>
    %get3A_309 = arith.constant 0 : index
    %get3A_310 = arith.constant 1 : index
    %get3A_311 = arith.constant 0 : index
    %get3A_312 = arith.constant 0 : index
    %get3A_313 = vector.load %arg2[%get3A_309, %get3A_310, %get3A_311, %get3A_312] : memref<1x3x18x128xf32, #tpu.memory_space<vmem>>, vector<1x1x18x128xf32>
    %get3A_314 = vector.shape_cast %get3A_313 : vector<1x1x18x128xf32> to vector<18x128xf32>
    %get3A_315 = arith.constant 0 : index
    %get3A_316 = arith.constant 2 : index
    %get3A_317 = arith.constant 0 : index
    %get3A_318 = arith.constant 0 : index
    %get3A_319 = vector.load %arg2[%get3A_315, %get3A_316, %get3A_317, %get3A_318] : memref<1x3x18x128xf32, #tpu.memory_space<vmem>>, vector<1x1x18x128xf32>
    %get3A_320 = vector.shape_cast %get3A_319 : vector<1x1x18x128xf32> to vector<18x128xf32>
    %get3A_321 = arith.constant 0 : index
    %get3A_322 = arith.constant 0 : index
    %get3A_323 = memref.load %arg13[%get3A_321, %get3A_322] : memref<8x5xf32, #tpu.memory_space<smem>>
    %mul3A = vector.broadcast %get3A_323 : f32 to vector<18x128xf32>
    %mul3A_324 = arith.mulf %get3A_296, %mul3A : vector<18x128xf32>
    %get3A_325 = arith.constant 0 : index
    %get3A_326 = arith.constant 1 : index
    %get3A_327 = memref.load %arg13[%get3A_325, %get3A_326] : memref<8x5xf32, #tpu.memory_space<smem>>
    %mul3A_328 = vector.broadcast %get3A_327 : f32 to vector<18x128xf32>
    %mul3A_329 = arith.mulf %get3A_302, %mul3A_328 : vector<18x128xf32>
    %add3A = arith.addf %mul3A_324, %mul3A_329 : vector<18x128xf32>
    %get3A_330 = arith.constant 0 : index
    %get3A_331 = arith.constant 2 : index
    %get3A_332 = memref.load %arg13[%get3A_330, %get3A_331] : memref<8x5xf32, #tpu.memory_space<smem>>
    %mul3A_333 = vector.broadcast %get3A_332 : f32 to vector<18x128xf32>
    %mul3A_334 = arith.mulf %get3A_308, %mul3A_333 : vector<18x128xf32>
    %add3A_335 = arith.addf %add3A, %mul3A_334 : vector<18x128xf32>
    %get3A_336 = arith.constant 0 : index
    %get3A_337 = arith.constant 3 : index
    %get3A_338 = memref.load %arg13[%get3A_336, %get3A_337] : memref<8x5xf32, #tpu.memory_space<smem>>
    %mul3A_339 = vector.broadcast %get3A_338 : f32 to vector<18x128xf32>
    %mul3A_340 = arith.mulf %get3A_314, %mul3A_339 : vector<18x128xf32>
    %add3A_341 = arith.addf %add3A_335, %mul3A_340 : vector<18x128xf32>
    %get3A_342 = arith.constant 0 : index
    %get3A_343 = arith.constant 4 : index
    %get3A_344 = memref.load %arg13[%get3A_342, %get3A_343] : memref<8x5xf32, #tpu.memory_space<smem>>
    %mul3A_345 = vector.broadcast %get3A_344 : f32 to vector<18x128xf32>
    %mul3A_346 = arith.mulf %get3A_320, %mul3A_345 : vector<18x128xf32>
    %add3A_347 = arith.addf %add3A_341, %mul3A_346 : vector<18x128xf32>
    %get3A_348 = arith.constant 0 : index
    %get3A_349 = memref.load %arg14[%get3A_348] : memref<8xf32, #tpu.memory_space<smem>>
    %add3A_350 = vector.broadcast %get3A_349 : f32 to vector<18x128xf32>
    %add3A_351 = arith.addf %add3A_347, %add3A_350 : vector<18x128xf32>
    %jit3A = arith.constant -1.000000e+09 : f32
    %broadcast_in_dim3A = vector.broadcast %jit3A : f32 to vector<18x128xf32>
    %select_n3A = arith.select %ne3A_256, %add3A_351, %broadcast_in_dim3A : vector<18x128xi1>, vector<18x128xf32>
    %get3A_352 = arith.constant 1 : index
    %get3A_353 = arith.constant 0 : index
    %get3A_354 = memref.load %arg13[%get3A_352, %get3A_353] : memref<8x5xf32, #tpu.memory_space<smem>>
    %mul3A_355 = vector.broadcast %get3A_354 : f32 to vector<18x128xf32>
    %mul3A_356 = arith.mulf %get3A_296, %mul3A_355 : vector<18x128xf32>
    %get3A_357 = arith.constant 1 : index
    %get3A_358 = arith.constant 1 : index
    %get3A_359 = memref.load %arg13[%get3A_357, %get3A_358] : memref<8x5xf32, #tpu.memory_space<smem>>
    %mul3A_360 = vector.broadcast %get3A_359 : f32 to vector<18x128xf32>
    %mul3A_361 = arith.mulf %get3A_302, %mul3A_360 : vector<18x128xf32>
    %add3A_362 = arith.addf %mul3A_356, %mul3A_361 : vector<18x128xf32>
    %get3A_363 = arith.constant 1 : index
    %get3A_364 = arith.constant 2 : index
    %get3A_365 = memref.load %arg13[%get3A_363, %get3A_364] : memref<8x5xf32, #tpu.memory_space<smem>>
    %mul3A_366 = vector.broadcast %get3A_365 : f32 to vector<18x128xf32>
    %mul3A_367 = arith.mulf %get3A_308, %mul3A_366 : vector<18x128xf32>
    %add3A_368 = arith.addf %add3A_362, %mul3A_367 : vector<18x128xf32>
    %get3A_369 = arith.constant 1 : index
    %get3A_370 = arith.constant 3 : index
    %get3A_371 = memref.load %arg13[%get3A_369, %get3A_370] : memref<8x5xf32, #tpu.memory_space<smem>>
    %mul3A_372 = vector.broadcast %get3A_371 : f32 to vector<18x128xf32>
    %mul3A_373 = arith.mulf %get3A_314, %mul3A_372 : vector<18x128xf32>
    %add3A_374 = arith.addf %add3A_368, %mul3A_373 : vector<18x128xf32>
    %get3A_375 = arith.constant 1 : index
    %get3A_376 = arith.constant 4 : index
    %get3A_377 = memref.load %arg13[%get3A_375, %get3A_376] : memref<8x5xf32, #tpu.memory_space<smem>>
    %mul3A_378 = vector.broadcast %get3A_377 : f32 to vector<18x128xf32>
    %mul3A_379 = arith.mulf %get3A_320, %mul3A_378 : vector<18x128xf32>
    %add3A_380 = arith.addf %add3A_374, %mul3A_379 : vector<18x128xf32>
    %get3A_381 = arith.constant 1 : index
    %get3A_382 = memref.load %arg14[%get3A_381] : memref<8xf32, #tpu.memory_space<smem>>
    %add3A_383 = vector.broadcast %get3A_382 : f32 to vector<18x128xf32>
    %add3A_384 = arith.addf %add3A_380, %add3A_383 : vector<18x128xf32>
    %jit3A_385 = arith.constant -1.000000e+09 : f32
    %broadcast_in_dim3A_386 = vector.broadcast %jit3A_385 : f32 to vector<18x128xf32>
    %select_n3A_387 = arith.select %ne3A_260, %add3A_384, %broadcast_in_dim3A_386 : vector<18x128xi1>, vector<18x128xf32>
    %get3A_388 = arith.constant 2 : index
    %get3A_389 = arith.constant 0 : index
    %get3A_390 = memref.load %arg13[%get3A_388, %get3A_389] : memref<8x5xf32, #tpu.memory_space<smem>>
    %mul3A_391 = vector.broadcast %get3A_390 : f32 to vector<18x128xf32>
    %mul3A_392 = arith.mulf %get3A_296, %mul3A_391 : vector<18x128xf32>
    %get3A_393 = arith.constant 2 : index
    %get3A_394 = arith.constant 1 : index
    %get3A_395 = memref.load %arg13[%get3A_393, %get3A_394] : memref<8x5xf32, #tpu.memory_space<smem>>
    %mul3A_396 = vector.broadcast %get3A_395 : f32 to vector<18x128xf32>
    %mul3A_397 = arith.mulf %get3A_302, %mul3A_396 : vector<18x128xf32>
    %add3A_398 = arith.addf %mul3A_392, %mul3A_397 : vector<18x128xf32>
    %get3A_399 = arith.constant 2 : index
    %get3A_400 = arith.constant 2 : index
    %get3A_401 = memref.load %arg13[%get3A_399, %get3A_400] : memref<8x5xf32, #tpu.memory_space<smem>>
    %mul3A_402 = vector.broadcast %get3A_401 : f32 to vector<18x128xf32>
    %mul3A_403 = arith.mulf %get3A_308, %mul3A_402 : vector<18x128xf32>
    %add3A_404 = arith.addf %add3A_398, %mul3A_403 : vector<18x128xf32>
    %get3A_405 = arith.constant 2 : index
    %get3A_406 = arith.constant 3 : index
    %get3A_407 = memref.load %arg13[%get3A_405, %get3A_406] : memref<8x5xf32, #tpu.memory_space<smem>>
    %mul3A_408 = vector.broadcast %get3A_407 : f32 to vector<18x128xf32>
    %mul3A_409 = arith.mulf %get3A_314, %mul3A_408 : vector<18x128xf32>
    %add3A_410 = arith.addf %add3A_404, %mul3A_409 : vector<18x128xf32>
    %get3A_411 = arith.constant 2 : index
    %get3A_412 = arith.constant 4 : index
    %get3A_413 = memref.load %arg13[%get3A_411, %get3A_412] : memref<8x5xf32, #tpu.memory_space<smem>>
    %mul3A_414 = vector.broadcast %get3A_413 : f32 to vector<18x128xf32>
    %mul3A_415 = arith.mulf %get3A_320, %mul3A_414 : vector<18x128xf32>
    %add3A_416 = arith.addf %add3A_410, %mul3A_415 : vector<18x128xf32>
    %get3A_417 = arith.constant 2 : index
    %get3A_418 = memref.load %arg14[%get3A_417] : memref<8xf32, #tpu.memory_space<smem>>
    %add3A_419 = vector.broadcast %get3A_418 : f32 to vector<18x128xf32>
    %add3A_420 = arith.addf %add3A_416, %add3A_419 : vector<18x128xf32>
    %jit3A_421 = arith.constant -1.000000e+09 : f32
    %broadcast_in_dim3A_422 = vector.broadcast %jit3A_421 : f32 to vector<18x128xf32>
    %select_n3A_423 = arith.select %ne3A_264, %add3A_420, %broadcast_in_dim3A_422 : vector<18x128xi1>, vector<18x128xf32>
    %get3A_424 = arith.constant 3 : index
    %get3A_425 = arith.constant 0 : index
    %get3A_426 = memref.load %arg13[%get3A_424, %get3A_425] : memref<8x5xf32, #tpu.memory_space<smem>>
    %mul3A_427 = vector.broadcast %get3A_426 : f32 to vector<18x128xf32>
    %mul3A_428 = arith.mulf %get3A_296, %mul3A_427 : vector<18x128xf32>
    %get3A_429 = arith.constant 3 : index
    %get3A_430 = arith.constant 1 : index
    %get3A_431 = memref.load %arg13[%get3A_429, %get3A_430] : memref<8x5xf32, #tpu.memory_space<smem>>
    %mul3A_432 = vector.broadcast %get3A_431 : f32 to vector<18x128xf32>
    %mul3A_433 = arith.mulf %get3A_302, %mul3A_432 : vector<18x128xf32>
    %add3A_434 = arith.addf %mul3A_428, %mul3A_433 : vector<18x128xf32>
    %get3A_435 = arith.constant 3 : index
    %get3A_436 = arith.constant 2 : index
    %get3A_437 = memref.load %arg13[%get3A_435, %get3A_436] : memref<8x5xf32, #tpu.memory_space<smem>>
    %mul3A_438 = vector.broadcast %get3A_437 : f32 to vector<18x128xf32>
    %mul3A_439 = arith.mulf %get3A_308, %mul3A_438 : vector<18x128xf32>
    %add3A_440 = arith.addf %add3A_434, %mul3A_439 : vector<18x128xf32>
    %get3A_441 = arith.constant 3 : index
    %get3A_442 = arith.constant 3 : index
    %get3A_443 = memref.load %arg13[%get3A_441, %get3A_442] : memref<8x5xf32, #tpu.memory_space<smem>>
    %mul3A_444 = vector.broadcast %get3A_443 : f32 to vector<18x128xf32>
    %mul3A_445 = arith.mulf %get3A_314, %mul3A_444 : vector<18x128xf32>
    %add3A_446 = arith.addf %add3A_440, %mul3A_445 : vector<18x128xf32>
    %get3A_447 = arith.constant 3 : index
    %get3A_448 = arith.constant 4 : index
    %get3A_449 = memref.load %arg13[%get3A_447, %get3A_448] : memref<8x5xf32, #tpu.memory_space<smem>>
    %mul3A_450 = vector.broadcast %get3A_449 : f32 to vector<18x128xf32>
    %mul3A_451 = arith.mulf %get3A_320, %mul3A_450 : vector<18x128xf32>
    %add3A_452 = arith.addf %add3A_446, %mul3A_451 : vector<18x128xf32>
    %get3A_453 = arith.constant 3 : index
    %get3A_454 = memref.load %arg14[%get3A_453] : memref<8xf32, #tpu.memory_space<smem>>
    %add3A_455 = vector.broadcast %get3A_454 : f32 to vector<18x128xf32>
    %add3A_456 = arith.addf %add3A_452, %add3A_455 : vector<18x128xf32>
    %jit3A_457 = arith.constant -1.000000e+09 : f32
    %broadcast_in_dim3A_458 = vector.broadcast %jit3A_457 : f32 to vector<18x128xf32>
    %select_n3A_459 = arith.select %ne3A_268, %add3A_456, %broadcast_in_dim3A_458 : vector<18x128xi1>, vector<18x128xf32>
    %get3A_460 = arith.constant 4 : index
    %get3A_461 = arith.constant 0 : index
    %get3A_462 = memref.load %arg13[%get3A_460, %get3A_461] : memref<8x5xf32, #tpu.memory_space<smem>>
    %mul3A_463 = vector.broadcast %get3A_462 : f32 to vector<18x128xf32>
    %mul3A_464 = arith.mulf %get3A_296, %mul3A_463 : vector<18x128xf32>
    %get3A_465 = arith.constant 4 : index
    %get3A_466 = arith.constant 1 : index
    %get3A_467 = memref.load %arg13[%get3A_465, %get3A_466] : memref<8x5xf32, #tpu.memory_space<smem>>
    %mul3A_468 = vector.broadcast %get3A_467 : f32 to vector<18x128xf32>
    %mul3A_469 = arith.mulf %get3A_302, %mul3A_468 : vector<18x128xf32>
    %add3A_470 = arith.addf %mul3A_464, %mul3A_469 : vector<18x128xf32>
    %get3A_471 = arith.constant 4 : index
    %get3A_472 = arith.constant 2 : index
    %get3A_473 = memref.load %arg13[%get3A_471, %get3A_472] : memref<8x5xf32, #tpu.memory_space<smem>>
    %mul3A_474 = vector.broadcast %get3A_473 : f32 to vector<18x128xf32>
    %mul3A_475 = arith.mulf %get3A_308, %mul3A_474 : vector<18x128xf32>
    %add3A_476 = arith.addf %add3A_470, %mul3A_475 : vector<18x128xf32>
    %get3A_477 = arith.constant 4 : index
    %get3A_478 = arith.constant 3 : index
    %get3A_479 = memref.load %arg13[%get3A_477, %get3A_478] : memref<8x5xf32, #tpu.memory_space<smem>>
    %mul3A_480 = vector.broadcast %get3A_479 : f32 to vector<18x128xf32>
    %mul3A_481 = arith.mulf %get3A_314, %mul3A_480 : vector<18x128xf32>
    %add3A_482 = arith.addf %add3A_476, %mul3A_481 : vector<18x128xf32>
    %get3A_483 = arith.constant 4 : index
    %get3A_484 = arith.constant 4 : index
    %get3A_485 = memref.load %arg13[%get3A_483, %get3A_484] : memref<8x5xf32, #tpu.memory_space<smem>>
    %mul3A_486 = vector.broadcast %get3A_485 : f32 to vector<18x128xf32>
    %mul3A_487 = arith.mulf %get3A_320, %mul3A_486 : vector<18x128xf32>
    %add3A_488 = arith.addf %add3A_482, %mul3A_487 : vector<18x128xf32>
    %get3A_489 = arith.constant 4 : index
    %get3A_490 = memref.load %arg14[%get3A_489] : memref<8xf32, #tpu.memory_space<smem>>
    %add3A_491 = vector.broadcast %get3A_490 : f32 to vector<18x128xf32>
    %add3A_492 = arith.addf %add3A_488, %add3A_491 : vector<18x128xf32>
    %jit3A_493 = arith.constant -1.000000e+09 : f32
    %broadcast_in_dim3A_494 = vector.broadcast %jit3A_493 : f32 to vector<18x128xf32>
    %select_n3A_495 = arith.select %ne3A_272, %add3A_492, %broadcast_in_dim3A_494 : vector<18x128xi1>, vector<18x128xf32>
    %get3A_496 = arith.constant 5 : index
    %get3A_497 = arith.constant 0 : index
    %get3A_498 = memref.load %arg13[%get3A_496, %get3A_497] : memref<8x5xf32, #tpu.memory_space<smem>>
    %mul3A_499 = vector.broadcast %get3A_498 : f32 to vector<18x128xf32>
    %mul3A_500 = arith.mulf %get3A_296, %mul3A_499 : vector<18x128xf32>
    %get3A_501 = arith.constant 5 : index
    %get3A_502 = arith.constant 1 : index
    %get3A_503 = memref.load %arg13[%get3A_501, %get3A_502] : memref<8x5xf32, #tpu.memory_space<smem>>
    %mul3A_504 = vector.broadcast %get3A_503 : f32 to vector<18x128xf32>
    %mul3A_505 = arith.mulf %get3A_302, %mul3A_504 : vector<18x128xf32>
    %add3A_506 = arith.addf %mul3A_500, %mul3A_505 : vector<18x128xf32>
    %get3A_507 = arith.constant 5 : index
    %get3A_508 = arith.constant 2 : index
    %get3A_509 = memref.load %arg13[%get3A_507, %get3A_508] : memref<8x5xf32, #tpu.memory_space<smem>>
    %mul3A_510 = vector.broadcast %get3A_509 : f32 to vector<18x128xf32>
    %mul3A_511 = arith.mulf %get3A_308, %mul3A_510 : vector<18x128xf32>
    %add3A_512 = arith.addf %add3A_506, %mul3A_511 : vector<18x128xf32>
    %get3A_513 = arith.constant 5 : index
    %get3A_514 = arith.constant 3 : index
    %get3A_515 = memref.load %arg13[%get3A_513, %get3A_514] : memref<8x5xf32, #tpu.memory_space<smem>>
    %mul3A_516 = vector.broadcast %get3A_515 : f32 to vector<18x128xf32>
    %mul3A_517 = arith.mulf %get3A_314, %mul3A_516 : vector<18x128xf32>
    %add3A_518 = arith.addf %add3A_512, %mul3A_517 : vector<18x128xf32>
    %get3A_519 = arith.constant 5 : index
    %get3A_520 = arith.constant 4 : index
    %get3A_521 = memref.load %arg13[%get3A_519, %get3A_520] : memref<8x5xf32, #tpu.memory_space<smem>>
    %mul3A_522 = vector.broadcast %get3A_521 : f32 to vector<18x128xf32>
    %mul3A_523 = arith.mulf %get3A_320, %mul3A_522 : vector<18x128xf32>
    %add3A_524 = arith.addf %add3A_518, %mul3A_523 : vector<18x128xf32>
    %get3A_525 = arith.constant 5 : index
    %get3A_526 = memref.load %arg14[%get3A_525] : memref<8xf32, #tpu.memory_space<smem>>
    %add3A_527 = vector.broadcast %get3A_526 : f32 to vector<18x128xf32>
    %add3A_528 = arith.addf %add3A_524, %add3A_527 : vector<18x128xf32>
    %jit3A_529 = arith.constant -1.000000e+09 : f32
    %broadcast_in_dim3A_530 = vector.broadcast %jit3A_529 : f32 to vector<18x128xf32>
    %select_n3A_531 = arith.select %ne3A_276, %add3A_528, %broadcast_in_dim3A_530 : vector<18x128xi1>, vector<18x128xf32>
    %get3A_532 = arith.constant 6 : index
    %get3A_533 = arith.constant 0 : index
    %get3A_534 = memref.load %arg13[%get3A_532, %get3A_533] : memref<8x5xf32, #tpu.memory_space<smem>>
    %mul3A_535 = vector.broadcast %get3A_534 : f32 to vector<18x128xf32>
    %mul3A_536 = arith.mulf %get3A_296, %mul3A_535 : vector<18x128xf32>
    %get3A_537 = arith.constant 6 : index
    %get3A_538 = arith.constant 1 : index
    %get3A_539 = memref.load %arg13[%get3A_537, %get3A_538] : memref<8x5xf32, #tpu.memory_space<smem>>
    %mul3A_540 = vector.broadcast %get3A_539 : f32 to vector<18x128xf32>
    %mul3A_541 = arith.mulf %get3A_302, %mul3A_540 : vector<18x128xf32>
    %add3A_542 = arith.addf %mul3A_536, %mul3A_541 : vector<18x128xf32>
    %get3A_543 = arith.constant 6 : index
    %get3A_544 = arith.constant 2 : index
    %get3A_545 = memref.load %arg13[%get3A_543, %get3A_544] : memref<8x5xf32, #tpu.memory_space<smem>>
    %mul3A_546 = vector.broadcast %get3A_545 : f32 to vector<18x128xf32>
    %mul3A_547 = arith.mulf %get3A_308, %mul3A_546 : vector<18x128xf32>
    %add3A_548 = arith.addf %add3A_542, %mul3A_547 : vector<18x128xf32>
    %get3A_549 = arith.constant 6 : index
    %get3A_550 = arith.constant 3 : index
    %get3A_551 = memref.load %arg13[%get3A_549, %get3A_550] : memref<8x5xf32, #tpu.memory_space<smem>>
    %mul3A_552 = vector.broadcast %get3A_551 : f32 to vector<18x128xf32>
    %mul3A_553 = arith.mulf %get3A_314, %mul3A_552 : vector<18x128xf32>
    %add3A_554 = arith.addf %add3A_548, %mul3A_553 : vector<18x128xf32>
    %get3A_555 = arith.constant 6 : index
    %get3A_556 = arith.constant 4 : index
    %get3A_557 = memref.load %arg13[%get3A_555, %get3A_556] : memref<8x5xf32, #tpu.memory_space<smem>>
    %mul3A_558 = vector.broadcast %get3A_557 : f32 to vector<18x128xf32>
    %mul3A_559 = arith.mulf %get3A_320, %mul3A_558 : vector<18x128xf32>
    %add3A_560 = arith.addf %add3A_554, %mul3A_559 : vector<18x128xf32>
    %get3A_561 = arith.constant 6 : index
    %get3A_562 = memref.load %arg14[%get3A_561] : memref<8xf32, #tpu.memory_space<smem>>
    %add3A_563 = vector.broadcast %get3A_562 : f32 to vector<18x128xf32>
    %add3A_564 = arith.addf %add3A_560, %add3A_563 : vector<18x128xf32>
    %jit3A_565 = arith.constant -1.000000e+09 : f32
    %broadcast_in_dim3A_566 = vector.broadcast %jit3A_565 : f32 to vector<18x128xf32>
    %select_n3A_567 = arith.select %ne3A_280, %add3A_564, %broadcast_in_dim3A_566 : vector<18x128xi1>, vector<18x128xf32>
    %max3A = arith.maximumf %select_n3A, %select_n3A_387 : vector<18x128xf32>
    %max3A_568 = arith.maximumf %select_n3A_423, %select_n3A_459 : vector<18x128xf32>
    %max3A_569 = arith.maximumf %select_n3A_495, %select_n3A_531 : vector<18x128xf32>
    %max3A_570 = arith.maximumf %max3A, %max3A_568 : vector<18x128xf32>
    %max3A_571 = arith.maximumf %max3A_569, %select_n3A_567 : vector<18x128xf32>
    %max3A_572 = arith.maximumf %max3A_570, %max3A_571 : vector<18x128xf32>
    %sub3A = arith.subf %select_n3A, %max3A_572 : vector<18x128xf32>
    %exp3A = math.exp %sub3A : vector<18x128xf32>
    %sub3A_573 = arith.subf %select_n3A_387, %max3A_572 : vector<18x128xf32>
    %exp3A_574 = math.exp %sub3A_573 : vector<18x128xf32>
    %sub3A_575 = arith.subf %select_n3A_423, %max3A_572 : vector<18x128xf32>
    %exp3A_576 = math.exp %sub3A_575 : vector<18x128xf32>
    %sub3A_577 = arith.subf %select_n3A_459, %max3A_572 : vector<18x128xf32>
    %exp3A_578 = math.exp %sub3A_577 : vector<18x128xf32>
    %sub3A_579 = arith.subf %select_n3A_495, %max3A_572 : vector<18x128xf32>
    %exp3A_580 = math.exp %sub3A_579 : vector<18x128xf32>
    %sub3A_581 = arith.subf %select_n3A_531, %max3A_572 : vector<18x128xf32>
    %exp3A_582 = math.exp %sub3A_581 : vector<18x128xf32>
    %sub3A_583 = arith.subf %select_n3A_567, %max3A_572 : vector<18x128xf32>
    %exp3A_584 = math.exp %sub3A_583 : vector<18x128xf32>
    %add3A_585 = arith.addf %exp3A, %exp3A_574 : vector<18x128xf32>
    %add3A_586 = arith.addf %exp3A_576, %exp3A_578 : vector<18x128xf32>
    %add3A_587 = arith.addf %exp3A_580, %exp3A_582 : vector<18x128xf32>
    %add3A_588 = arith.addf %add3A_585, %add3A_586 : vector<18x128xf32>
    %add3A_589 = arith.addf %add3A_587, %exp3A_584 : vector<18x128xf32>
    %add3A_590 = arith.addf %add3A_588, %add3A_589 : vector<18x128xf32>
    %log3A = math.log %add3A_590 : vector<18x128xf32>
    %div3A = arith.constant 1.000000e+00 : f32
    %div3A_591 = vector.broadcast %div3A : f32 to vector<18x128xf32>
    %div3A_592 = arith.divf %div3A_591, %add3A_590 : vector<18x128xf32>
    %add3A_593 = arith.addf %max3A_572, %log3A : vector<18x128xf32>
    %mul3A_594 = arith.mulf %exp3A, %div3A_592 : vector<18x128xf32>
    %sub3A_595 = arith.subf %select_n3A, %add3A_593 : vector<18x128xf32>
    %mul3A_596 = arith.mulf %mul3A_594, %sub3A_595 : vector<18x128xf32>
    %jit3A_597 = arith.constant 0.000000e+00 : f32
    %broadcast_in_dim3A_598 = vector.broadcast %jit3A_597 : f32 to vector<18x128xf32>
    %select_n3A_599 = arith.select %ne3A_256, %mul3A_596, %broadcast_in_dim3A_598 : vector<18x128xi1>, vector<18x128xf32>
    %mul3A_600 = arith.mulf %exp3A_574, %div3A_592 : vector<18x128xf32>
    %sub3A_601 = arith.subf %select_n3A_387, %add3A_593 : vector<18x128xf32>
    %mul3A_602 = arith.mulf %mul3A_600, %sub3A_601 : vector<18x128xf32>
    %jit3A_603 = arith.constant 0.000000e+00 : f32
    %broadcast_in_dim3A_604 = vector.broadcast %jit3A_603 : f32 to vector<18x128xf32>
    %select_n3A_605 = arith.select %ne3A_260, %mul3A_602, %broadcast_in_dim3A_604 : vector<18x128xi1>, vector<18x128xf32>
    %mul3A_606 = arith.mulf %exp3A_576, %div3A_592 : vector<18x128xf32>
    %sub3A_607 = arith.subf %select_n3A_423, %add3A_593 : vector<18x128xf32>
    %mul3A_608 = arith.mulf %mul3A_606, %sub3A_607 : vector<18x128xf32>
    %jit3A_609 = arith.constant 0.000000e+00 : f32
    %broadcast_in_dim3A_610 = vector.broadcast %jit3A_609 : f32 to vector<18x128xf32>
    %select_n3A_611 = arith.select %ne3A_264, %mul3A_608, %broadcast_in_dim3A_610 : vector<18x128xi1>, vector<18x128xf32>
    %mul3A_612 = arith.mulf %exp3A_578, %div3A_592 : vector<18x128xf32>
    %sub3A_613 = arith.subf %select_n3A_459, %add3A_593 : vector<18x128xf32>
    %mul3A_614 = arith.mulf %mul3A_612, %sub3A_613 : vector<18x128xf32>
    %jit3A_615 = arith.constant 0.000000e+00 : f32
    %broadcast_in_dim3A_616 = vector.broadcast %jit3A_615 : f32 to vector<18x128xf32>
    %select_n3A_617 = arith.select %ne3A_268, %mul3A_614, %broadcast_in_dim3A_616 : vector<18x128xi1>, vector<18x128xf32>
    %mul3A_618 = arith.mulf %exp3A_580, %div3A_592 : vector<18x128xf32>
    %sub3A_619 = arith.subf %select_n3A_495, %add3A_593 : vector<18x128xf32>
    %mul3A_620 = arith.mulf %mul3A_618, %sub3A_619 : vector<18x128xf32>
    %jit3A_621 = arith.constant 0.000000e+00 : f32
    %broadcast_in_dim3A_622 = vector.broadcast %jit3A_621 : f32 to vector<18x128xf32>
    %select_n3A_623 = arith.select %ne3A_272, %mul3A_620, %broadcast_in_dim3A_622 : vector<18x128xi1>, vector<18x128xf32>
    %mul3A_624 = arith.mulf %exp3A_582, %div3A_592 : vector<18x128xf32>
    %sub3A_625 = arith.subf %select_n3A_531, %add3A_593 : vector<18x128xf32>
    %mul3A_626 = arith.mulf %mul3A_624, %sub3A_625 : vector<18x128xf32>
    %jit3A_627 = arith.constant 0.000000e+00 : f32
    %broadcast_in_dim3A_628 = vector.broadcast %jit3A_627 : f32 to vector<18x128xf32>
    %select_n3A_629 = arith.select %ne3A_276, %mul3A_626, %broadcast_in_dim3A_628 : vector<18x128xi1>, vector<18x128xf32>
    %mul3A_630 = arith.mulf %exp3A_584, %div3A_592 : vector<18x128xf32>
    %sub3A_631 = arith.subf %select_n3A_567, %add3A_593 : vector<18x128xf32>
    %mul3A_632 = arith.mulf %mul3A_630, %sub3A_631 : vector<18x128xf32>
    %jit3A_633 = arith.constant 0.000000e+00 : f32
    %broadcast_in_dim3A_634 = vector.broadcast %jit3A_633 : f32 to vector<18x128xf32>
    %select_n3A_635 = arith.select %ne3A_280, %mul3A_632, %broadcast_in_dim3A_634 : vector<18x128xi1>, vector<18x128xf32>
    %add3A_636 = arith.addf %select_n3A_599, %select_n3A_605 : vector<18x128xf32>
    %add3A_637 = arith.addf %select_n3A_611, %select_n3A_617 : vector<18x128xf32>
    %add3A_638 = arith.addf %select_n3A_623, %select_n3A_629 : vector<18x128xf32>
    %add3A_639 = arith.addf %add3A_636, %add3A_637 : vector<18x128xf32>
    %add3A_640 = arith.addf %add3A_638, %select_n3A_635 : vector<18x128xf32>
    %add3A_641 = arith.addf %add3A_639, %add3A_640 : vector<18x128xf32>
    %neg3A = arith.constant 0.000000e+00 : f32
    %neg3A_642 = vector.broadcast %neg3A : f32 to vector<18x128xf32>
    %neg3A_643 = arith.subf %neg3A_642, %add3A_641 : vector<18x128xf32>
    %gt3A = arith.cmpf ogt, %select_n3A_387, %select_n3A : vector<18x128xf32>
    %max3A_644 = arith.maximumf %select_n3A, %select_n3A_387 : vector<18x128xf32>
    %jit3A_645 = arith.constant 1 : i32
    %jit3A_646 = arith.constant 0 : i32
    %broadcast_in_dim3A_647 = vector.broadcast %jit3A_645 : i32 to vector<18x128xi32>
    %broadcast_in_dim3A_648 = vector.broadcast %jit3A_646 : i32 to vector<18x128xi32>
    %select_n3A_649 = arith.select %gt3A, %broadcast_in_dim3A_647, %broadcast_in_dim3A_648 : vector<18x128xi1>, vector<18x128xi32>
    %gt3A_650 = arith.cmpf ogt, %select_n3A_459, %select_n3A_423 : vector<18x128xf32>
    %max3A_651 = arith.maximumf %select_n3A_423, %select_n3A_459 : vector<18x128xf32>
    %jit3A_652 = arith.constant 3 : i32
    %jit3A_653 = arith.constant 2 : i32
    %broadcast_in_dim3A_654 = vector.broadcast %jit3A_652 : i32 to vector<18x128xi32>
    %broadcast_in_dim3A_655 = vector.broadcast %jit3A_653 : i32 to vector<18x128xi32>
    %select_n3A_656 = arith.select %gt3A_650, %broadcast_in_dim3A_654, %broadcast_in_dim3A_655 : vector<18x128xi1>, vector<18x128xi32>
    %gt3A_657 = arith.cmpf ogt, %select_n3A_531, %select_n3A_495 : vector<18x128xf32>
    %max3A_658 = arith.maximumf %select_n3A_495, %select_n3A_531 : vector<18x128xf32>
    %jit3A_659 = arith.constant 5 : i32
    %jit3A_660 = arith.constant 4 : i32
    %broadcast_in_dim3A_661 = vector.broadcast %jit3A_659 : i32 to vector<18x128xi32>
    %broadcast_in_dim3A_662 = vector.broadcast %jit3A_660 : i32 to vector<18x128xi32>
    %select_n3A_663 = arith.select %gt3A_657, %broadcast_in_dim3A_661, %broadcast_in_dim3A_662 : vector<18x128xi1>, vector<18x128xi32>
    %gt3A_664 = arith.cmpf ogt, %max3A_651, %max3A_644 : vector<18x128xf32>
    %max3A_665 = arith.maximumf %max3A_644, %max3A_651 : vector<18x128xf32>
    %select_n3A_666 = arith.select %gt3A_664, %select_n3A_656, %select_n3A_649 : vector<18x128xi1>, vector<18x128xi32>
    %gt3A_667 = arith.cmpf ogt, %select_n3A_567, %max3A_658 : vector<18x128xf32>
    %max3A_668 = arith.maximumf %max3A_658, %select_n3A_567 : vector<18x128xf32>
    %jit3A_669 = arith.constant 6 : i32
    %broadcast_in_dim3A_670 = vector.broadcast %jit3A_669 : i32 to vector<18x128xi32>
    %select_n3A_671 = arith.select %gt3A_667, %broadcast_in_dim3A_670, %select_n3A_663 : vector<18x128xi1>, vector<18x128xi32>
    %gt3A_672 = arith.cmpf ogt, %max3A_668, %max3A_665 : vector<18x128xf32>
    %select_n3A_673 = arith.select %gt3A_672, %select_n3A_671, %select_n3A_666 : vector<18x128xi1>, vector<18x128xi32>
    %get3A_674 = arith.constant 7 : index
    %get3A_675 = arith.constant 0 : index
    %get3A_676 = memref.load %arg13[%get3A_674, %get3A_675] : memref<8x5xf32, #tpu.memory_space<smem>>
    %mul3A_677 = vector.broadcast %get3A_676 : f32 to vector<18x128xf32>
    %mul3A_678 = arith.mulf %get3A_296, %mul3A_677 : vector<18x128xf32>
    %get3A_679 = arith.constant 7 : index
    %get3A_680 = arith.constant 1 : index
    %get3A_681 = memref.load %arg13[%get3A_679, %get3A_680] : memref<8x5xf32, #tpu.memory_space<smem>>
    %mul3A_682 = vector.broadcast %get3A_681 : f32 to vector<18x128xf32>
    %mul3A_683 = arith.mulf %get3A_302, %mul3A_682 : vector<18x128xf32>
    %add3A_684 = arith.addf %mul3A_678, %mul3A_683 : vector<18x128xf32>
    %get3A_685 = arith.constant 7 : index
    %get3A_686 = arith.constant 2 : index
    %get3A_687 = memref.load %arg13[%get3A_685, %get3A_686] : memref<8x5xf32, #tpu.memory_space<smem>>
    %mul3A_688 = vector.broadcast %get3A_687 : f32 to vector<18x128xf32>
    %mul3A_689 = arith.mulf %get3A_308, %mul3A_688 : vector<18x128xf32>
    %add3A_690 = arith.addf %add3A_684, %mul3A_689 : vector<18x128xf32>
    %get3A_691 = arith.constant 7 : index
    %get3A_692 = arith.constant 3 : index
    %get3A_693 = memref.load %arg13[%get3A_691, %get3A_692] : memref<8x5xf32, #tpu.memory_space<smem>>
    %mul3A_694 = vector.broadcast %get3A_693 : f32 to vector<18x128xf32>
    %mul3A_695 = arith.mulf %get3A_314, %mul3A_694 : vector<18x128xf32>
    %add3A_696 = arith.addf %add3A_690, %mul3A_695 : vector<18x128xf32>
    %get3A_697 = arith.constant 7 : index
    %get3A_698 = arith.constant 4 : index
    %get3A_699 = memref.load %arg13[%get3A_697, %get3A_698] : memref<8x5xf32, #tpu.memory_space<smem>>
    %mul3A_700 = vector.broadcast %get3A_699 : f32 to vector<18x128xf32>
    %mul3A_701 = arith.mulf %get3A_320, %mul3A_700 : vector<18x128xf32>
    %add3A_702 = arith.addf %add3A_696, %mul3A_701 : vector<18x128xf32>
    %get3A_703 = arith.constant 7 : index
    %get3A_704 = memref.load %arg14[%get3A_703] : memref<8xf32, #tpu.memory_space<smem>>
    %add3A_705 = vector.broadcast %get3A_704 : f32 to vector<18x128xf32>
    %add3A_706 = arith.addf %add3A_702, %add3A_705 : vector<18x128xf32>
    %get3A_707 = arith.constant 0 : index
    %get3A_708 = arith.constant 0 : index
    %get3A_709 = arith.constant 0 : index
    %get3A_710 = arith.constant 0 : index
    %get3A_711 = vector.load %arg5[%get3A_707, %get3A_708, %get3A_709, %get3A_710] : memref<1x4x18x128xi8, #tpu.memory_space<vmem>>, vector<1x1x18x128xi8>
    %get3A_712 = vector.shape_cast %get3A_711 : vector<1x1x18x128xi8> to vector<18x128xi8>
    %convert_element_type3A_713 = arith.extsi %get3A_712 : vector<18x128xi8> to vector<18x128xi32>
    %ne3A_714 = arith.constant 0 : i32
    %ne3A_715 = vector.broadcast %ne3A_714 : i32 to vector<18x128xi32>
    %ne3A_716 = arith.cmpi ne, %convert_element_type3A_713, %ne3A_715 : vector<18x128xi32>
    %get3A_717 = arith.constant 0 : index
    %get3A_718 = arith.constant 1 : index
    %get3A_719 = arith.constant 0 : index
    %get3A_720 = arith.constant 0 : index
    %get3A_721 = vector.load %arg5[%get3A_717, %get3A_718, %get3A_719, %get3A_720] : memref<1x4x18x128xi8, #tpu.memory_space<vmem>>, vector<1x1x18x128xi8>
    %get3A_722 = vector.shape_cast %get3A_721 : vector<1x1x18x128xi8> to vector<18x128xi8>
    %convert_element_type3A_723 = arith.extsi %get3A_722 : vector<18x128xi8> to vector<18x128xi32>
    %ne3A_724 = arith.constant 0 : i32
    %ne3A_725 = vector.broadcast %ne3A_724 : i32 to vector<18x128xi32>
    %ne3A_726 = arith.cmpi ne, %convert_element_type3A_723, %ne3A_725 : vector<18x128xi32>
    %get3A_727 = arith.constant 0 : index
    %get3A_728 = arith.constant 2 : index
    %get3A_729 = arith.constant 0 : index
    %get3A_730 = arith.constant 0 : index
    %get3A_731 = vector.load %arg5[%get3A_727, %get3A_728, %get3A_729, %get3A_730] : memref<1x4x18x128xi8, #tpu.memory_space<vmem>>, vector<1x1x18x128xi8>
    %get3A_732 = vector.shape_cast %get3A_731 : vector<1x1x18x128xi8> to vector<18x128xi8>
    %convert_element_type3A_733 = arith.extsi %get3A_732 : vector<18x128xi8> to vector<18x128xi32>
    %ne3A_734 = arith.constant 0 : i32
    %ne3A_735 = vector.broadcast %ne3A_734 : i32 to vector<18x128xi32>
    %ne3A_736 = arith.cmpi ne, %convert_element_type3A_733, %ne3A_735 : vector<18x128xi32>
    %get3A_737 = arith.constant 0 : index
    %get3A_738 = arith.constant 3 : index
    %get3A_739 = arith.constant 0 : index
    %get3A_740 = arith.constant 0 : index
    %get3A_741 = vector.load %arg5[%get3A_737, %get3A_738, %get3A_739, %get3A_740] : memref<1x4x18x128xi8, #tpu.memory_space<vmem>>, vector<1x1x18x128xi8>
    %get3A_742 = vector.shape_cast %get3A_741 : vector<1x1x18x128xi8> to vector<18x128xi8>
    %convert_element_type3A_743 = arith.extsi %get3A_742 : vector<18x128xi8> to vector<18x128xi32>
    %ne3A_744 = arith.constant 0 : i32
    %ne3A_745 = vector.broadcast %ne3A_744 : i32 to vector<18x128xi32>
    %ne3A_746 = arith.cmpi ne, %convert_element_type3A_743, %ne3A_745 : vector<18x128xi32>
    %get3A_747 = arith.constant 0 : index
    %get3A_748 = arith.constant 0 : index
    %get3A_749 = arith.constant 0 : index
    %get3A_750 = arith.constant 0 : index
    %get3A_751 = vector.load %arg5[%get3A_747, %get3A_748, %get3A_749, %get3A_750] : memref<1x4x18x128xi8, #tpu.memory_space<vmem>>, vector<1x1x18x128xi8>
    %get3A_752 = vector.shape_cast %get3A_751 : vector<1x1x18x128xi8> to vector<18x128xi8>
    %get3A_753 = arith.constant 0 : index
    %get3A_754 = arith.constant 1 : index
    %get3A_755 = arith.constant 0 : index
    %get3A_756 = arith.constant 0 : index
    %get3A_757 = vector.load %arg5[%get3A_753, %get3A_754, %get3A_755, %get3A_756] : memref<1x4x18x128xi8, #tpu.memory_space<vmem>>, vector<1x1x18x128xi8>
    %get3A_758 = vector.shape_cast %get3A_757 : vector<1x1x18x128xi8> to vector<18x128xi8>
    %or3A_759 = arith.ori %get3A_752, %get3A_758 : vector<18x128xi8>
    %get3A_760 = arith.constant 0 : index
    %get3A_761 = arith.constant 2 : index
    %get3A_762 = arith.constant 0 : index
    %get3A_763 = arith.constant 0 : index
    %get3A_764 = vector.load %arg5[%get3A_760, %get3A_761, %get3A_762, %get3A_763] : memref<1x4x18x128xi8, #tpu.memory_space<vmem>>, vector<1x1x18x128xi8>
    %get3A_765 = vector.shape_cast %get3A_764 : vector<1x1x18x128xi8> to vector<18x128xi8>
    %or3A_766 = arith.ori %or3A_759, %get3A_765 : vector<18x128xi8>
    %get3A_767 = arith.constant 0 : index
    %get3A_768 = arith.constant 3 : index
    %get3A_769 = arith.constant 0 : index
    %get3A_770 = arith.constant 0 : index
    %get3A_771 = vector.load %arg5[%get3A_767, %get3A_768, %get3A_769, %get3A_770] : memref<1x4x18x128xi8, #tpu.memory_space<vmem>>, vector<1x1x18x128xi8>
    %get3A_772 = vector.shape_cast %get3A_771 : vector<1x1x18x128xi8> to vector<18x128xi8>
    %or3A_773 = arith.ori %or3A_766, %get3A_772 : vector<18x128xi8>
    %convert_element_type3A_774 = arith.extsi %or3A_773 : vector<18x128xi8> to vector<18x128xi32>
    %ne3A_775 = arith.constant 0 : i32
    %ne3A_776 = vector.broadcast %ne3A_775 : i32 to vector<18x128xi32>
    %ne3A_777 = arith.cmpi ne, %convert_element_type3A_774, %ne3A_776 : vector<18x128xi32>
    %get3A_778 = arith.constant 0 : index
    %get3A_779 = arith.constant 0 : index
    %get3A_780 = arith.constant 0 : index
    %get3A_781 = arith.constant 0 : index
    %get3A_782 = vector.load %arg3[%get3A_778, %get3A_779, %get3A_780, %get3A_781] : memref<1x6x18x128xf32, #tpu.memory_space<vmem>>, vector<1x1x18x128xf32>
    %get3A_783 = vector.shape_cast %get3A_782 : vector<1x1x18x128xf32> to vector<18x128xf32>
    %get3A_784 = arith.constant 0 : index
    %get3A_785 = arith.constant 1 : index
    %get3A_786 = arith.constant 0 : index
    %get3A_787 = arith.constant 0 : index
    %get3A_788 = vector.load %arg3[%get3A_784, %get3A_785, %get3A_786, %get3A_787] : memref<1x6x18x128xf32, #tpu.memory_space<vmem>>, vector<1x1x18x128xf32>
    %get3A_789 = vector.shape_cast %get3A_788 : vector<1x1x18x128xf32> to vector<18x128xf32>
    %get3A_790 = arith.constant 0 : index
    %get3A_791 = arith.constant 2 : index
    %get3A_792 = arith.constant 0 : index
    %get3A_793 = arith.constant 0 : index
    %get3A_794 = vector.load %arg3[%get3A_790, %get3A_791, %get3A_792, %get3A_793] : memref<1x6x18x128xf32, #tpu.memory_space<vmem>>, vector<1x1x18x128xf32>
    %get3A_795 = vector.shape_cast %get3A_794 : vector<1x1x18x128xf32> to vector<18x128xf32>
    %get3A_796 = arith.constant 0 : index
    %get3A_797 = arith.constant 3 : index
    %get3A_798 = arith.constant 0 : index
    %get3A_799 = arith.constant 0 : index
    %get3A_800 = vector.load %arg3[%get3A_796, %get3A_797, %get3A_798, %get3A_799] : memref<1x6x18x128xf32, #tpu.memory_space<vmem>>, vector<1x1x18x128xf32>
    %get3A_801 = vector.shape_cast %get3A_800 : vector<1x1x18x128xf32> to vector<18x128xf32>
    %get3A_802 = arith.constant 0 : index
    %get3A_803 = arith.constant 4 : index
    %get3A_804 = arith.constant 0 : index
    %get3A_805 = arith.constant 0 : index
    %get3A_806 = vector.load %arg3[%get3A_802, %get3A_803, %get3A_804, %get3A_805] : memref<1x6x18x128xf32, #tpu.memory_space<vmem>>, vector<1x1x18x128xf32>
    %get3A_807 = vector.shape_cast %get3A_806 : vector<1x1x18x128xf32> to vector<18x128xf32>
    %get3A_808 = arith.constant 0 : index
    %get3A_809 = arith.constant 5 : index
    %get3A_810 = arith.constant 0 : index
    %get3A_811 = arith.constant 0 : index
    %get3A_812 = vector.load %arg3[%get3A_808, %get3A_809, %get3A_810, %get3A_811] : memref<1x6x18x128xf32, #tpu.memory_space<vmem>>, vector<1x1x18x128xf32>
    %get3A_813 = vector.shape_cast %get3A_812 : vector<1x1x18x128xf32> to vector<18x128xf32>
    %get3A_814 = arith.constant 0 : index
    %get3A_815 = arith.constant 0 : index
    %get3A_816 = memref.load %arg15[%get3A_814, %get3A_815] : memref<4x6xf32, #tpu.memory_space<smem>>
    %mul3A_817 = vector.broadcast %get3A_816 : f32 to vector<18x128xf32>
    %mul3A_818 = arith.mulf %get3A_783, %mul3A_817 : vector<18x128xf32>
    %get3A_819 = arith.constant 0 : index
    %get3A_820 = arith.constant 1 : index
    %get3A_821 = memref.load %arg15[%get3A_819, %get3A_820] : memref<4x6xf32, #tpu.memory_space<smem>>
    %mul3A_822 = vector.broadcast %get3A_821 : f32 to vector<18x128xf32>
    %mul3A_823 = arith.mulf %get3A_789, %mul3A_822 : vector<18x128xf32>
    %add3A_824 = arith.addf %mul3A_818, %mul3A_823 : vector<18x128xf32>
    %get3A_825 = arith.constant 0 : index
    %get3A_826 = arith.constant 2 : index
    %get3A_827 = memref.load %arg15[%get3A_825, %get3A_826] : memref<4x6xf32, #tpu.memory_space<smem>>
    %mul3A_828 = vector.broadcast %get3A_827 : f32 to vector<18x128xf32>
    %mul3A_829 = arith.mulf %get3A_795, %mul3A_828 : vector<18x128xf32>
    %add3A_830 = arith.addf %add3A_824, %mul3A_829 : vector<18x128xf32>
    %get3A_831 = arith.constant 0 : index
    %get3A_832 = arith.constant 3 : index
    %get3A_833 = memref.load %arg15[%get3A_831, %get3A_832] : memref<4x6xf32, #tpu.memory_space<smem>>
    %mul3A_834 = vector.broadcast %get3A_833 : f32 to vector<18x128xf32>
    %mul3A_835 = arith.mulf %get3A_801, %mul3A_834 : vector<18x128xf32>
    %add3A_836 = arith.addf %add3A_830, %mul3A_835 : vector<18x128xf32>
    %get3A_837 = arith.constant 0 : index
    %get3A_838 = arith.constant 4 : index
    %get3A_839 = memref.load %arg15[%get3A_837, %get3A_838] : memref<4x6xf32, #tpu.memory_space<smem>>
    %mul3A_840 = vector.broadcast %get3A_839 : f32 to vector<18x128xf32>
    %mul3A_841 = arith.mulf %get3A_807, %mul3A_840 : vector<18x128xf32>
    %add3A_842 = arith.addf %add3A_836, %mul3A_841 : vector<18x128xf32>
    %get3A_843 = arith.constant 0 : index
    %get3A_844 = arith.constant 5 : index
    %get3A_845 = memref.load %arg15[%get3A_843, %get3A_844] : memref<4x6xf32, #tpu.memory_space<smem>>
    %mul3A_846 = vector.broadcast %get3A_845 : f32 to vector<18x128xf32>
    %mul3A_847 = arith.mulf %get3A_813, %mul3A_846 : vector<18x128xf32>
    %add3A_848 = arith.addf %add3A_842, %mul3A_847 : vector<18x128xf32>
    %get3A_849 = arith.constant 0 : index
    %get3A_850 = memref.load %arg16[%get3A_849] : memref<4xf32, #tpu.memory_space<smem>>
    %add3A_851 = vector.broadcast %get3A_850 : f32 to vector<18x128xf32>
    %add3A_852 = arith.addf %add3A_848, %add3A_851 : vector<18x128xf32>
    %jit3A_853 = arith.constant -1.000000e+09 : f32
    %broadcast_in_dim3A_854 = vector.broadcast %jit3A_853 : f32 to vector<18x128xf32>
    %select_n3A_855 = arith.select %ne3A_716, %add3A_852, %broadcast_in_dim3A_854 : vector<18x128xi1>, vector<18x128xf32>
    %get3A_856 = arith.constant 1 : index
    %get3A_857 = arith.constant 0 : index
    %get3A_858 = memref.load %arg15[%get3A_856, %get3A_857] : memref<4x6xf32, #tpu.memory_space<smem>>
    %mul3A_859 = vector.broadcast %get3A_858 : f32 to vector<18x128xf32>
    %mul3A_860 = arith.mulf %get3A_783, %mul3A_859 : vector<18x128xf32>
    %get3A_861 = arith.constant 1 : index
    %get3A_862 = arith.constant 1 : index
    %get3A_863 = memref.load %arg15[%get3A_861, %get3A_862] : memref<4x6xf32, #tpu.memory_space<smem>>
    %mul3A_864 = vector.broadcast %get3A_863 : f32 to vector<18x128xf32>
    %mul3A_865 = arith.mulf %get3A_789, %mul3A_864 : vector<18x128xf32>
    %add3A_866 = arith.addf %mul3A_860, %mul3A_865 : vector<18x128xf32>
    %get3A_867 = arith.constant 1 : index
    %get3A_868 = arith.constant 2 : index
    %get3A_869 = memref.load %arg15[%get3A_867, %get3A_868] : memref<4x6xf32, #tpu.memory_space<smem>>
    %mul3A_870 = vector.broadcast %get3A_869 : f32 to vector<18x128xf32>
    %mul3A_871 = arith.mulf %get3A_795, %mul3A_870 : vector<18x128xf32>
    %add3A_872 = arith.addf %add3A_866, %mul3A_871 : vector<18x128xf32>
    %get3A_873 = arith.constant 1 : index
    %get3A_874 = arith.constant 3 : index
    %get3A_875 = memref.load %arg15[%get3A_873, %get3A_874] : memref<4x6xf32, #tpu.memory_space<smem>>
    %mul3A_876 = vector.broadcast %get3A_875 : f32 to vector<18x128xf32>
    %mul3A_877 = arith.mulf %get3A_801, %mul3A_876 : vector<18x128xf32>
    %add3A_878 = arith.addf %add3A_872, %mul3A_877 : vector<18x128xf32>
    %get3A_879 = arith.constant 1 : index
    %get3A_880 = arith.constant 4 : index
    %get3A_881 = memref.load %arg15[%get3A_879, %get3A_880] : memref<4x6xf32, #tpu.memory_space<smem>>
    %mul3A_882 = vector.broadcast %get3A_881 : f32 to vector<18x128xf32>
    %mul3A_883 = arith.mulf %get3A_807, %mul3A_882 : vector<18x128xf32>
    %add3A_884 = arith.addf %add3A_878, %mul3A_883 : vector<18x128xf32>
    %get3A_885 = arith.constant 1 : index
    %get3A_886 = arith.constant 5 : index
    %get3A_887 = memref.load %arg15[%get3A_885, %get3A_886] : memref<4x6xf32, #tpu.memory_space<smem>>
    %mul3A_888 = vector.broadcast %get3A_887 : f32 to vector<18x128xf32>
    %mul3A_889 = arith.mulf %get3A_813, %mul3A_888 : vector<18x128xf32>
    %add3A_890 = arith.addf %add3A_884, %mul3A_889 : vector<18x128xf32>
    %get3A_891 = arith.constant 1 : index
    %get3A_892 = memref.load %arg16[%get3A_891] : memref<4xf32, #tpu.memory_space<smem>>
    %add3A_893 = vector.broadcast %get3A_892 : f32 to vector<18x128xf32>
    %add3A_894 = arith.addf %add3A_890, %add3A_893 : vector<18x128xf32>
    %jit3A_895 = arith.constant -1.000000e+09 : f32
    %broadcast_in_dim3A_896 = vector.broadcast %jit3A_895 : f32 to vector<18x128xf32>
    %select_n3A_897 = arith.select %ne3A_726, %add3A_894, %broadcast_in_dim3A_896 : vector<18x128xi1>, vector<18x128xf32>
    %get3A_898 = arith.constant 2 : index
    %get3A_899 = arith.constant 0 : index
    %get3A_900 = memref.load %arg15[%get3A_898, %get3A_899] : memref<4x6xf32, #tpu.memory_space<smem>>
    %mul3A_901 = vector.broadcast %get3A_900 : f32 to vector<18x128xf32>
    %mul3A_902 = arith.mulf %get3A_783, %mul3A_901 : vector<18x128xf32>
    %get3A_903 = arith.constant 2 : index
    %get3A_904 = arith.constant 1 : index
    %get3A_905 = memref.load %arg15[%get3A_903, %get3A_904] : memref<4x6xf32, #tpu.memory_space<smem>>
    %mul3A_906 = vector.broadcast %get3A_905 : f32 to vector<18x128xf32>
    %mul3A_907 = arith.mulf %get3A_789, %mul3A_906 : vector<18x128xf32>
    %add3A_908 = arith.addf %mul3A_902, %mul3A_907 : vector<18x128xf32>
    %get3A_909 = arith.constant 2 : index
    %get3A_910 = arith.constant 2 : index
    %get3A_911 = memref.load %arg15[%get3A_909, %get3A_910] : memref<4x6xf32, #tpu.memory_space<smem>>
    %mul3A_912 = vector.broadcast %get3A_911 : f32 to vector<18x128xf32>
    %mul3A_913 = arith.mulf %get3A_795, %mul3A_912 : vector<18x128xf32>
    %add3A_914 = arith.addf %add3A_908, %mul3A_913 : vector<18x128xf32>
    %get3A_915 = arith.constant 2 : index
    %get3A_916 = arith.constant 3 : index
    %get3A_917 = memref.load %arg15[%get3A_915, %get3A_916] : memref<4x6xf32, #tpu.memory_space<smem>>
    %mul3A_918 = vector.broadcast %get3A_917 : f32 to vector<18x128xf32>
    %mul3A_919 = arith.mulf %get3A_801, %mul3A_918 : vector<18x128xf32>
    %add3A_920 = arith.addf %add3A_914, %mul3A_919 : vector<18x128xf32>
    %get3A_921 = arith.constant 2 : index
    %get3A_922 = arith.constant 4 : index
    %get3A_923 = memref.load %arg15[%get3A_921, %get3A_922] : memref<4x6xf32, #tpu.memory_space<smem>>
    %mul3A_924 = vector.broadcast %get3A_923 : f32 to vector<18x128xf32>
    %mul3A_925 = arith.mulf %get3A_807, %mul3A_924 : vector<18x128xf32>
    %add3A_926 = arith.addf %add3A_920, %mul3A_925 : vector<18x128xf32>
    %get3A_927 = arith.constant 2 : index
    %get3A_928 = arith.constant 5 : index
    %get3A_929 = memref.load %arg15[%get3A_927, %get3A_928] : memref<4x6xf32, #tpu.memory_space<smem>>
    %mul3A_930 = vector.broadcast %get3A_929 : f32 to vector<18x128xf32>
    %mul3A_931 = arith.mulf %get3A_813, %mul3A_930 : vector<18x128xf32>
    %add3A_932 = arith.addf %add3A_926, %mul3A_931 : vector<18x128xf32>
    %get3A_933 = arith.constant 2 : index
    %get3A_934 = memref.load %arg16[%get3A_933] : memref<4xf32, #tpu.memory_space<smem>>
    %add3A_935 = vector.broadcast %get3A_934 : f32 to vector<18x128xf32>
    %add3A_936 = arith.addf %add3A_932, %add3A_935 : vector<18x128xf32>
    %jit3A_937 = arith.constant -1.000000e+09 : f32
    %broadcast_in_dim3A_938 = vector.broadcast %jit3A_937 : f32 to vector<18x128xf32>
    %select_n3A_939 = arith.select %ne3A_736, %add3A_936, %broadcast_in_dim3A_938 : vector<18x128xi1>, vector<18x128xf32>
    %get3A_940 = arith.constant 3 : index
    %get3A_941 = arith.constant 0 : index
    %get3A_942 = memref.load %arg15[%get3A_940, %get3A_941] : memref<4x6xf32, #tpu.memory_space<smem>>
    %mul3A_943 = vector.broadcast %get3A_942 : f32 to vector<18x128xf32>
    %mul3A_944 = arith.mulf %get3A_783, %mul3A_943 : vector<18x128xf32>
    %get3A_945 = arith.constant 3 : index
    %get3A_946 = arith.constant 1 : index
    %get3A_947 = memref.load %arg15[%get3A_945, %get3A_946] : memref<4x6xf32, #tpu.memory_space<smem>>
    %mul3A_948 = vector.broadcast %get3A_947 : f32 to vector<18x128xf32>
    %mul3A_949 = arith.mulf %get3A_789, %mul3A_948 : vector<18x128xf32>
    %add3A_950 = arith.addf %mul3A_944, %mul3A_949 : vector<18x128xf32>
    %get3A_951 = arith.constant 3 : index
    %get3A_952 = arith.constant 2 : index
    %get3A_953 = memref.load %arg15[%get3A_951, %get3A_952] : memref<4x6xf32, #tpu.memory_space<smem>>
    %mul3A_954 = vector.broadcast %get3A_953 : f32 to vector<18x128xf32>
    %mul3A_955 = arith.mulf %get3A_795, %mul3A_954 : vector<18x128xf32>
    %add3A_956 = arith.addf %add3A_950, %mul3A_955 : vector<18x128xf32>
    %get3A_957 = arith.constant 3 : index
    %get3A_958 = arith.constant 3 : index
    %get3A_959 = memref.load %arg15[%get3A_957, %get3A_958] : memref<4x6xf32, #tpu.memory_space<smem>>
    %mul3A_960 = vector.broadcast %get3A_959 : f32 to vector<18x128xf32>
    %mul3A_961 = arith.mulf %get3A_801, %mul3A_960 : vector<18x128xf32>
    %add3A_962 = arith.addf %add3A_956, %mul3A_961 : vector<18x128xf32>
    %get3A_963 = arith.constant 3 : index
    %get3A_964 = arith.constant 4 : index
    %get3A_965 = memref.load %arg15[%get3A_963, %get3A_964] : memref<4x6xf32, #tpu.memory_space<smem>>
    %mul3A_966 = vector.broadcast %get3A_965 : f32 to vector<18x128xf32>
    %mul3A_967 = arith.mulf %get3A_807, %mul3A_966 : vector<18x128xf32>
    %add3A_968 = arith.addf %add3A_962, %mul3A_967 : vector<18x128xf32>
    %get3A_969 = arith.constant 3 : index
    %get3A_970 = arith.constant 5 : index
    %get3A_971 = memref.load %arg15[%get3A_969, %get3A_970] : memref<4x6xf32, #tpu.memory_space<smem>>
    %mul3A_972 = vector.broadcast %get3A_971 : f32 to vector<18x128xf32>
    %mul3A_973 = arith.mulf %get3A_813, %mul3A_972 : vector<18x128xf32>
    %add3A_974 = arith.addf %add3A_968, %mul3A_973 : vector<18x128xf32>
    %get3A_975 = arith.constant 3 : index
    %get3A_976 = memref.load %arg16[%get3A_975] : memref<4xf32, #tpu.memory_space<smem>>
    %add3A_977 = vector.broadcast %get3A_976 : f32 to vector<18x128xf32>
    %add3A_978 = arith.addf %add3A_974, %add3A_977 : vector<18x128xf32>
    %jit3A_979 = arith.constant -1.000000e+09 : f32
    %broadcast_in_dim3A_980 = vector.broadcast %jit3A_979 : f32 to vector<18x128xf32>
    %select_n3A_981 = arith.select %ne3A_746, %add3A_978, %broadcast_in_dim3A_980 : vector<18x128xi1>, vector<18x128xf32>
    %gt3A_982 = arith.cmpf ogt, %select_n3A_897, %select_n3A_855 : vector<18x128xf32>
    %max3A_983 = arith.maximumf %select_n3A_855, %select_n3A_897 : vector<18x128xf32>
    %jit3A_984 = arith.constant 1 : i32
    %jit3A_985 = arith.constant 0 : i32
    %broadcast_in_dim3A_986 = vector.broadcast %jit3A_984 : i32 to vector<18x128xi32>
    %broadcast_in_dim3A_987 = vector.broadcast %jit3A_985 : i32 to vector<18x128xi32>
    %select_n3A_988 = arith.select %gt3A_982, %broadcast_in_dim3A_986, %broadcast_in_dim3A_987 : vector<18x128xi1>, vector<18x128xi32>
    %gt3A_989 = arith.cmpf ogt, %select_n3A_981, %select_n3A_939 : vector<18x128xf32>
    %max3A_990 = arith.maximumf %select_n3A_939, %select_n3A_981 : vector<18x128xf32>
    %jit3A_991 = arith.constant 3 : i32
    %jit3A_992 = arith.constant 2 : i32
    %broadcast_in_dim3A_993 = vector.broadcast %jit3A_991 : i32 to vector<18x128xi32>
    %broadcast_in_dim3A_994 = vector.broadcast %jit3A_992 : i32 to vector<18x128xi32>
    %select_n3A_995 = arith.select %gt3A_989, %broadcast_in_dim3A_993, %broadcast_in_dim3A_994 : vector<18x128xi1>, vector<18x128xi32>
    %gt3A_996 = arith.cmpf ogt, %max3A_990, %max3A_983 : vector<18x128xf32>
    %select_n3A_997 = arith.select %gt3A_996, %select_n3A_995, %select_n3A_988 : vector<18x128xi1>, vector<18x128xi32>
    %get3A_998 = arith.constant 0 : index
    %get3A_999 = arith.constant 0 : index
    %get3A_1000 = arith.constant 0 : index
    %get3A_1001 = arith.constant 0 : index
    %get3A_1002 = vector.load %arg4[%get3A_998, %get3A_999, %get3A_1000, %get3A_1001] : memref<1x1x18x128xi32, #tpu.memory_space<vmem>>, vector<1x1x18x128xi32>
    %get3A_1003 = vector.shape_cast %get3A_1002 : vector<1x1x18x128xi32> to vector<18x128xi32>
    %add3A_1004 = arith.constant 10 : i32
    %add3A_1005 = vector.broadcast %add3A_1004 : i32 to vector<18x128xi32>
    %add3A_1006 = arith.addi %get3A_1003, %add3A_1005 : vector<18x128xi32>
    %jit3A_1007 = arith.constant 1000 : i32
    %broadcast_in_dim3A_1008 = vector.broadcast %jit3A_1007 : i32 to vector<18x128xi32>
    %select_n3A_1009 = arith.select %ne3A_290, %add3A_1006, %broadcast_in_dim3A_1008 : vector<18x128xi1>, vector<18x128xi32>
    %neg3A_1010 = arith.constant 0.000000e+00 : f32
    %neg3A_1011 = vector.broadcast %neg3A_1010 : f32 to vector<18x128xf32>
    %neg3A_1012 = arith.subf %neg3A_1011, %log3A : vector<18x128xf32>
    %swap3A = arith.constant 0 : index
    %swap3A_1013 = arith.constant 0 : index
    %swap3A_1014 = arith.constant 0 : index
    %swap3A_1015 = arith.constant 0 : index
    %swap3A_1016 = vector.load %arg17[%swap3A, %swap3A_1013, %swap3A_1014, %swap3A_1015] : memref<1x1x18x128xf32, #tpu.memory_space<vmem>>, vector<1x1x18x128xf32>
    %swap3A_1017 = vector.shape_cast %swap3A_1016 : vector<1x1x18x128xf32> to vector<18x128xf32>
    %swap3A_1018 = vector.shape_cast %neg3A_1012 : vector<18x128xf32> to vector<1x1x18x128xf32>
    tpu.vector_store %arg17[%swap3A, %swap3A_1013, %swap3A_1014, %swap3A_1015], %swap3A_1018 {strides = array<i32>} : memref<1x1x18x128xf32, #tpu.memory_space<vmem>>, vector<1x1x18x128xf32>,
    %swap3A_1019 = arith.constant 0 : index
    %swap3A_1020 = arith.constant 0 : index
    %swap3A_1021 = arith.constant 0 : index
    %swap3A_1022 = arith.constant 0 : index
    %swap3A_1023 = vector.load %arg18[%swap3A_1019, %swap3A_1020, %swap3A_1021, %swap3A_1022] : memref<1x1x18x128xf32, #tpu.memory_space<vmem>>, vector<1x1x18x128xf32>
    %swap3A_1024 = vector.shape_cast %swap3A_1023 : vector<1x1x18x128xf32> to vector<18x128xf32>
    %swap3A_1025 = vector.shape_cast %neg3A_643 : vector<18x128xf32> to vector<1x1x18x128xf32>
    tpu.vector_store %arg18[%swap3A_1019, %swap3A_1020, %swap3A_1021, %swap3A_1022], %swap3A_1025 {strides = array<i32>} : memref<1x1x18x128xf32, #tpu.memory_space<vmem>>, vector<1x1x18x128xf32>,
    %swap3A_1026 = arith.constant 0 : index
    %swap3A_1027 = arith.constant 0 : index
    %swap3A_1028 = arith.constant 0 : index
    %swap3A_1029 = arith.constant 0 : index
    %swap3A_1030 = vector.load %arg19[%swap3A_1026, %swap3A_1027, %swap3A_1028, %swap3A_1029] : memref<1x1x18x128xf32, #tpu.memory_space<vmem>>, vector<1x1x18x128xf32>
    %swap3A_1031 = vector.shape_cast %swap3A_1030 : vector<1x1x18x128xf32> to vector<18x128xf32>
    %swap3A_1032 = vector.shape_cast %add3A_706 : vector<18x128xf32> to vector<1x1x18x128xf32>
    tpu.vector_store %arg19[%swap3A_1026, %swap3A_1027, %swap3A_1028, %swap3A_1029], %swap3A_1032 {strides = array<i32>} : memref<1x1x18x128xf32, #tpu.memory_space<vmem>>, vector<1x1x18x128xf32>,
    %swap3A_1033 = arith.constant 0 : index
    %swap3A_1034 = arith.constant 0 : index
    %swap3A_1035 = arith.constant 0 : index
    %swap3A_1036 = arith.constant 0 : index
    %swap3A_1037 = vector.load %arg20[%swap3A_1033, %swap3A_1034, %swap3A_1035, %swap3A_1036] : memref<1x1x18x128xi32, #tpu.memory_space<vmem>>, vector<1x1x18x128xi32>
    %swap3A_1038 = vector.shape_cast %swap3A_1037 : vector<1x1x18x128xi32> to vector<18x128xi32>
    %swap3A_1039 = vector.shape_cast %select_n3A_1009 : vector<18x128xi32> to vector<1x1x18x128xi32>
    tpu.vector_store %arg20[%swap3A_1033, %swap3A_1034, %swap3A_1035, %swap3A_1036], %swap3A_1039 {strides = array<i32>} : memref<1x1x18x128xi32, #tpu.memory_space<vmem>>, vector<1x1x18x128xi32>,
    %convert_element_type3A_1040 = arith.sitofp %select_n3A_997 : vector<18x128xi32> to vector<18x128xf32>
    %jit3A_1041 = arith.constant 0.000000e+00 : f32
    %broadcast_in_dim3A_1042 = vector.broadcast %jit3A_1041 : f32 to vector<18x128xf32>
    %select_n3A_1043 = arith.select %ne3A_777, %convert_element_type3A_1040, %broadcast_in_dim3A_1042 : vector<18x128xi1>, vector<18x128xf32>
    %swap3A_1044 = arith.constant 0 : index
    %swap3A_1045 = arith.constant 0 : index
    %swap3A_1046 = arith.constant 0 : index
    %swap3A_1047 = arith.constant 0 : index
    %swap3A_1048 = vector.load %arg21[%swap3A_1044, %swap3A_1045, %swap3A_1046, %swap3A_1047] : memref<1x1x18x128xf32, #tpu.memory_space<vmem>>, vector<1x1x18x128xf32>
    %swap3A_1049 = vector.shape_cast %swap3A_1048 : vector<1x1x18x128xf32> to vector<18x128xf32>
    %swap3A_1050 = vector.shape_cast %select_n3A_1043 : vector<18x128xf32> to vector<1x1x18x128xf32>
    tpu.vector_store %arg21[%swap3A_1044, %swap3A_1045, %swap3A_1046, %swap3A_1047], %swap3A_1050 {strides = array<i32>} : memref<1x1x18x128xf32, #tpu.memory_space<vmem>>, vector<1x1x18x128xf32>,
    %broadcast_in_dim3A_1051 = arith.constant 0.000000e+00 : f32
    %broadcast_in_dim3A_1052 = vector.broadcast %broadcast_in_dim3A_1051 : f32 to vector<18x128xf32>
    %convert_element_type3A_1053 = arith.sitofp %select_n3A_673 : vector<18x128xi32> to vector<18x128xf32>
    %jit3A_1054 = arith.constant 0.000000e+00 : f32
    %broadcast_in_dim3A_1055 = vector.broadcast %jit3A_1054 : f32 to vector<18x128xf32>
    %select_n3A_1056 = arith.select %ne3A_290, %convert_element_type3A_1053, %broadcast_in_dim3A_1055 : vector<18x128xi1>, vector<18x128xf32>
    %swap3A_1057 = arith.constant 0 : index
    %swap3A_1058 = arith.constant 0 : index
    %swap3A_1059 = arith.constant 0 : index
    %swap3A_1060 = arith.constant 0 : index
    %swap3A_1061 = vector.load %arg22[%swap3A_1057, %swap3A_1058, %swap3A_1059, %swap3A_1060] : memref<1x6x18x128xf32, #tpu.memory_space<vmem>>, vector<1x1x18x128xf32>
    %swap3A_1062 = vector.shape_cast %swap3A_1061 : vector<1x1x18x128xf32> to vector<18x128xf32>
    %swap3A_1063 = vector.shape_cast %select_n3A_1056 : vector<18x128xf32> to vector<1x1x18x128xf32>
    tpu.vector_store %arg22[%swap3A_1057, %swap3A_1058, %swap3A_1059, %swap3A_1060], %swap3A_1063 {strides = array<i32>} : memref<1x6x18x128xf32, #tpu.memory_space<vmem>>, vector<1x1x18x128xf32>,
    %swap3A_1064 = arith.constant 0 : index
    %swap3A_1065 = arith.constant 1 : index
    %swap3A_1066 = arith.constant 0 : index
    %swap3A_1067 = arith.constant 0 : index
    %swap3A_1068 = vector.load %arg22[%swap3A_1064, %swap3A_1065, %swap3A_1066, %swap3A_1067] : memref<1x6x18x128xf32, #tpu.memory_space<vmem>>, vector<1x1x18x128xf32>
    %swap3A_1069 = vector.shape_cast %swap3A_1068 : vector<1x1x18x128xf32> to vector<18x128xf32>
    %swap3A_1070 = vector.shape_cast %broadcast_in_dim3A_1052 : vector<18x128xf32> to vector<1x1x18x128xf32>
    tpu.vector_store %arg22[%swap3A_1064, %swap3A_1065, %swap3A_1066, %swap3A_1067], %swap3A_1070 {strides = array<i32>} : memref<1x6x18x128xf32, #tpu.memory_space<vmem>>, vector<1x1x18x128xf32>,
    %swap3A_1071 = arith.constant 0 : index
    %swap3A_1072 = arith.constant 2 : index
    %swap3A_1073 = arith.constant 0 : index
    %swap3A_1074 = arith.constant 0 : index
    %swap3A_1075 = vector.load %arg22[%swap3A_1071, %swap3A_1072, %swap3A_1073, %swap3A_1074] : memref<1x6x18x128xf32, #tpu.memory_space<vmem>>, vector<1x1x18x128xf32>
    %swap3A_1076 = vector.shape_cast %swap3A_1075 : vector<1x1x18x128xf32> to vector<18x128xf32>
    %swap3A_1077 = vector.shape_cast %broadcast_in_dim3A_1052 : vector<18x128xf32> to vector<1x1x18x128xf32>
    tpu.vector_store %arg22[%swap3A_1071, %swap3A_1072, %swap3A_1073, %swap3A_1074], %swap3A_1077 {strides = array<i32>} : memref<1x6x18x128xf32, #tpu.memory_space<vmem>>, vector<1x1x18x128xf32>,
    %swap3A_1078 = arith.constant 0 : index
    %swap3A_1079 = arith.constant 3 : index
    %swap3A_1080 = arith.constant 0 : index
    %swap3A_1081 = arith.constant 0 : index
    %swap3A_1082 = vector.load %arg22[%swap3A_1078, %swap3A_1079, %swap3A_1080, %swap3A_1081] : memref<1x6x18x128xf32, #tpu.memory_space<vmem>>, vector<1x1x18x128xf32>
    %swap3A_1083 = vector.shape_cast %swap3A_1082 : vector<1x1x18x128xf32> to vector<18x128xf32>
    %swap3A_1084 = vector.shape_cast %broadcast_in_dim3A_1052 : vector<18x128xf32> to vector<1x1x18x128xf32>
    tpu.vector_store %arg22[%swap3A_1078, %swap3A_1079, %swap3A_1080, %swap3A_1081], %swap3A_1084 {strides = array<i32>} : memref<1x6x18x128xf32, #tpu.memory_space<vmem>>, vector<1x1x18x128xf32>,
    %swap3A_1085 = arith.constant 0 : index
    %swap3A_1086 = arith.constant 4 : index
    %swap3A_1087 = arith.constant 0 : index
    %swap3A_1088 = arith.constant 0 : index
    %swap3A_1089 = vector.load %arg22[%swap3A_1085, %swap3A_1086, %swap3A_1087, %swap3A_1088] : memref<1x6x18x128xf32, #tpu.memory_space<vmem>>, vector<1x1x18x128xf32>
    %swap3A_1090 = vector.shape_cast %swap3A_1089 : vector<1x1x18x128xf32> to vector<18x128xf32>
    %swap3A_1091 = vector.shape_cast %broadcast_in_dim3A_1052 : vector<18x128xf32> to vector<1x1x18x128xf32>
    tpu.vector_store %arg22[%swap3A_1085, %swap3A_1086, %swap3A_1087, %swap3A_1088], %swap3A_1091 {strides = array<i32>} : memref<1x6x18x128xf32, #tpu.memory_space<vmem>>, vector<1x1x18x128xf32>,
    %jit3A_1092 = arith.constant 1.000000e+00 : f32
    %jit3A_1093 = arith.constant 0.000000e+00 : f32
    %broadcast_in_dim3A_1094 = vector.broadcast %jit3A_1092 : f32 to vector<18x128xf32>
    %broadcast_in_dim3A_1095 = vector.broadcast %jit3A_1093 : f32 to vector<18x128xf32>
    %select_n3A_1096 = arith.select %ne3A_290, %broadcast_in_dim3A_1094, %broadcast_in_dim3A_1095 : vector<18x128xi1>, vector<18x128xf32>
    %swap3A_1097 = arith.constant 0 : index
    %swap3A_1098 = arith.constant 5 : index
    %swap3A_1099 = arith.constant 0 : index
    %swap3A_1100 = arith.constant 0 : index
    %swap3A_1101 = vector.load %arg22[%swap3A_1097, %swap3A_1098, %swap3A_1099, %swap3A_1100] : memref<1x6x18x128xf32, #tpu.memory_space<vmem>>, vector<1x1x18x128xf32>
    %swap3A_1102 = vector.shape_cast %swap3A_1101 : vector<1x1x18x128xf32> to vector<18x128xf32>
    %swap3A_1103 = vector.shape_cast %select_n3A_1096 : vector<18x128xf32> to vector<1x1x18x128xf32>
    tpu.vector_store %arg22[%swap3A_1097, %swap3A_1098, %swap3A_1099, %swap3A_1100], %swap3A_1103 {strides = array<i32>} : memref<1x6x18x128xf32, #tpu.memory_space<vmem>>, vector<1x1x18x128xf32>,
    return
  }
  func.func @transform_0(%arg0: i32) -> (i32, i32, i32, i32) {
    %c0_i32 = arith.constant 0 : i32
    %c0_i32_0 = arith.constant 0 : i32
    %c0_i32_1 = arith.constant 0 : i32
    %c0_i32_2 = arith.constant 0 : i32
    return %arg0, %c0_i32, %c0_i32_0, %c0_i32_1 : i32, i32, i32, i32
  }
  func.func @transform_1(%arg0: i32) -> (i32, i32, i32, i32) {
    %c0_i32 = arith.constant 0 : i32
    %c0_i32_0 = arith.constant 0 : i32
    %c0_i32_1 = arith.constant 0 : i32
    %c0_i32_2 = arith.constant 0 : i32
    return %arg0, %c0_i32, %c0_i32_0, %c0_i32_1 : i32, i32, i32, i32
  }
  func.func @transform_2(%arg0: i32) -> (i32, i32, i32, i32) {
    %c0_i32 = arith.constant 0 : i32
    %c0_i32_0 = arith.constant 0 : i32
    %c0_i32_1 = arith.constant 0 : i32
    %c0_i32_2 = arith.constant 0 : i32
    return %arg0, %c0_i32, %c0_i32_0, %c0_i32_1 : i32, i32, i32, i32
  }
  func.func @transform_3(%arg0: i32) -> (i32, i32, i32, i32) {
    %c0_i32 = arith.constant 0 : i32
    %c0_i32_0 = arith.constant 0 : i32
    %c0_i32_1 = arith.constant 0 : i32
    %c0_i32_2 = arith.constant 0 : i32
    return %arg0, %c0_i32, %c0_i32_0, %c0_i32_1 : i32, i32, i32, i32
  }
  func.func @transform_4(%arg0: i32) -> (i32, i32, i32, i32) {
    %c0_i32 = arith.constant 0 : i32
    %c0_i32_0 = arith.constant 0 : i32
    %c0_i32_1 = arith.constant 0 : i32
    %c0_i32_2 = arith.constant 0 : i32
    return %arg0, %c0_i32, %c0_i32_0, %c0_i32_1 : i32, i32, i32, i32
  }
  func.func @transform_5(%arg0: i32) -> (i32, i32, i32, i32) {
    %c0_i32 = arith.constant 0 : i32
    %c0_i32_0 = arith.constant 0 : i32
    %c0_i32_1 = arith.constant 0 : i32
    %c0_i32_2 = arith.constant 0 : i32
    return %arg0, %c0_i32, %c0_i32_0, %c0_i32_1 : i32, i32, i32, i32
  }
  func.func @transform_6(%arg0: i32) -> (i32, i32, i32, i32) {
    %c0_i32 = arith.constant 0 : i32
    %c0_i32_0 = arith.constant 0 : i32
    %c0_i32_1 = arith.constant 0 : i32
    %c0_i32_2 = arith.constant 0 : i32
    return %arg0, %c0_i32, %c0_i32_0, %c0_i32_1 : i32, i32, i32, i32
  }
  func.func @transform_7(%arg0: i32) -> (i32, i32, i32, i32) {
    %c0_i32 = arith.constant 0 : i32
    %c0_i32_0 = arith.constant 0 : i32
    %c0_i32_1 = arith.constant 0 : i32
    %c0_i32_2 = arith.constant 0 : i32
    return %arg0, %c0_i32, %c0_i32_0, %c0_i32_1 : i32, i32, i32, i32
  }
  func.func @transform_8(%arg0: i32) -> (i32, i32, i32, i32) {
    %c0_i32 = arith.constant 0 : i32
    %c0_i32_0 = arith.constant 0 : i32
    %c0_i32_1 = arith.constant 0 : i32
    %c0_i32_2 = arith.constant 0 : i32
    return %arg0, %c0_i32, %c0_i32_0, %c0_i32_1 : i32, i32, i32, i32
  }
  func.func @transform_9(%arg0: i32) -> (i32, i32, i32, i32) {
    %c0_i32 = arith.constant 0 : i32
    %c0_i32_0 = arith.constant 0 : i32
    %c0_i32_1 = arith.constant 0 : i32
    %c0_i32_2 = arith.constant 0 : i32
    return %arg0, %c0_i32, %c0_i32_0, %c0_i32_1 : i32, i32, i32, i32
  }
  func.func @transform_10(%arg0: i32) -> (i32, i32, i32, i32) {
    %c0_i32 = arith.constant 0 : i32
    %c0_i32_0 = arith.constant 0 : i32
    %c0_i32_1 = arith.constant 0 : i32
    %c0_i32_2 = arith.constant 0 : i32
    return %arg0, %c0_i32, %c0_i32_0, %c0_i32_1 : i32, i32, i32, i32
  }
  func.func @transform_11(%arg0: i32) -> (i32, i32, i32, i32) {
    %c0_i32 = arith.constant 0 : i32
    %c0_i32_0 = arith.constant 0 : i32
    %c0_i32_1 = arith.constant 0 : i32
    %c0_i32_2 = arith.constant 0 : i32
    return %arg0, %c0_i32, %c0_i32_0, %c0_i32_1 : i32, i32, i32, i32
  }
  func.func @transform_12(%arg0: i32) -> (i32, i32) {
    %c0_i32 = arith.constant 0 : i32
    %c0_i32_0 = arith.constant 0 : i32
    %c0_i32_1 = arith.constant 0 : i32
    return %c0_i32, %c0_i32_0 : i32, i32
  }
  func.func @transform_13(%arg0: i32) -> i32 {
    %c0_i32 = arith.constant 0 : i32
    %c0_i32_0 = arith.constant 0 : i32
    return %c0_i32 : i32
  }
  func.func @transform_14(%arg0: i32) -> (i32, i32) {
    %c0_i32 = arith.constant 0 : i32
    %c0_i32_0 = arith.constant 0 : i32
    %c0_i32_1 = arith.constant 0 : i32
    return %c0_i32, %c0_i32_0 : i32, i32
  }
  func.func @transform_15(%arg0: i32) -> i32 {
    %c0_i32 = arith.constant 0 : i32
    %c0_i32_0 = arith.constant 0 : i32
    return %c0_i32 : i32
  }
  func.func @transform_16(%arg0: i32) -> (i32, i32, i32, i32) {
    %c0_i32 = arith.constant 0 : i32
    %c0_i32_0 = arith.constant 0 : i32
    %c0_i32_1 = arith.constant 0 : i32
    %c0_i32_2 = arith.constant 0 : i32
    return %arg0, %c0_i32, %c0_i32_0, %c0_i32_1 : i32, i32, i32, i32
  }
  func.func @transform_17(%arg0: i32) -> (i32, i32, i32, i32) {
    %c0_i32 = arith.constant 0 : i32
    %c0_i32_0 = arith.constant 0 : i32
    %c0_i32_1 = arith.constant 0 : i32
    %c0_i32_2 = arith.constant 0 : i32
    return %arg0, %c0_i32, %c0_i32_0, %c0_i32_1 : i32, i32, i32, i32
  }
  func.func @transform_18(%arg0: i32) -> (i32, i32, i32, i32) {
    %c0_i32 = arith.constant 0 : i32
    %c0_i32_0 = arith.constant 0 : i32
    %c0_i32_1 = arith.constant 0 : i32
    %c0_i32_2 = arith.constant 0 : i32
    return %arg0, %c0_i32, %c0_i32_0, %c0_i32_1 : i32, i32, i32, i32
  }
  func.func @transform_19(%arg0: i32) -> (i32, i32, i32, i32) {
    %c0_i32 = arith.constant 0 : i32
    %c0_i32_0 = arith.constant 0 : i32
    %c0_i32_1 = arith.constant 0 : i32
    %c0_i32_2 = arith.constant 0 : i32
    return %arg0, %c0_i32, %c0_i32_0, %c0_i32_1 : i32, i32, i32, i32
  }
  func.func @transform_20(%arg0: i32) -> (i32, i32, i32, i32) {
    %c0_i32 = arith.constant 0 : i32
    %c0_i32_0 = arith.constant 0 : i32
    %c0_i32_1 = arith.constant 0 : i32
    %c0_i32_2 = arith.constant 0 : i32
    return %arg0, %c0_i32, %c0_i32_0, %c0_i32_1 : i32, i32, i32, i32
  }
  func.func @transform_21(%arg0: i32) -> (i32, i32, i32, i32) {
    %c0_i32 = arith.constant 0 : i32
    %c0_i32_0 = arith.constant 0 : i32
    %c0_i32_1 = arith.constant 0 : i32
    %c0_i32_2 = arith.constant 0 : i32
    return %arg0, %c0_i32, %c0_i32_0, %c0_i32_1 : i32, i32, i32, i32
  }
}

</mosaic_0001>

<sc_bundles>
// kernel: kernel.4.cloned.1.call-start
scs
__scs_entry_jumppad:
0x0: {  	(pc) =	sbr.rel $0x88, $3  }
0x1: {  	(tag) =	ssettag $0x0;
	lr =	simm.s32 $0x1  }
0x2: {  	[smem:$0x3F8F] =	sst lr;
	_ =	strace $0xD0000000  }
0x3: {  	_ = 	snop  }
0x4: {  	_ = 	snop  }
0x5: {  	_ = 	snop  }
0x6: {  	_ = 	snop  }
0x7: {  	_ = 	snop  }
__scs_overlays_trampoline_lowered:
0x8: {  	[smem:$0x3F9E] =	sst s0  }
0x9: {  	[smem:$0x3F9F] =	sst s1  }
0xa: {  	[smem:$0x3FA0] =	sst s2  }
0xb: {  	[smem:$0x3FA1] =	sst s3  }
0xc: {  	[smem:$0x3FA2] =	sst s4  }
0xd: {  	[smem:$0x3FA3] =	sst s5  }
0xe: {  	[smem:$0x3FA4] =	sst s6  }
0xf: {  	[smem:$0x3FA5] =	sst s7  }
0x10: {  	[smem:$0x3FA6] =	sst s8  }
0x11: {  	[smem:$0x3FA7] =	sst s9;
	s0 =	simm.s32 @!p0 $0x0  }
0x12: {  	s1 =	sld [smem:$0x3F8D];
	s0 =	simm.s32 @p0 $0x1  }
0x13: {  	[smem:$0x3FA8] =	sst s0;
	s0 =	simm.s32 @!p1 $0x0  }
0x14: {  	s2 =	sld [smem:$0x3F8C];
	s0 =	simm.s32 @p1 $0x1  }
0x15: {  	[smem:$0x3FA9] =	sst s0;
	s0 =	simm.s32 @!p2 $0x0  }
0x16: {  	s3 =	sld [smem:$0x3FDB];
	s0 =	simm.s32 @p2 $0x1  }
0x17: {  	s4 =	simm.s32 $0x1BF5;
	[smem:$0x3FAB] =	sst s0  }
0x18: {  	s0 =	sld [smem:$0x3F8E];
	_ =	swait.ge [sflag:s4], $0x0  }
0x19: {  	s7 =	sld [smem:$0x3F8F]  }
0x1a: {  	s8 =	sadd.s32 $0xFFFFE003, lr  }
0x1b: {  	s9 =	sadd.s32 $0xFFFFFEF7, lr;
	s5 =	simm.s32 $0xFFFFFFFF;
	p2 =	slt.u32 s8, $0xFFFFF086  }
0x1c: {  	p1 =	slt.u32 s9, $0xF7A;
	s5 =	simm.s32 @!p2 $0x0  }
0x1d: {  	s5 =	simm.s32 @p1 $0x1;
	p0 =	seq.s32 s7, s2  }
0x1e: {  	s7 =	smul.u32 @!p0 $0xF7A, s2;
	p2 =	seq.s32 @!p0 s5, $0x0  }
0x1f: {  	s9 =	smul.u32 $0xF7A, s1;
	s8 =	simm.s32 @!p0 $0x1BF5;
	p2 =	por !p2, p0  }
0x20: {  	[sflag:s8] =	ssyncset.s32 @!p0 $0xFFFFF086;
	s6 =	sadd.s32 @!p0 s3, s7;
	s7 =	simm.s32 @!p0 $0x108  }
0x21: {  	s3 =	sadd.s32 s3, s9;
	s6 =	sadd.s32 @!p0 $0x88, s6;
	s7 =	simm.s32 @p2 $0x1082  }
0x22: {  	[simem:s7], [sflag:s8] =	dma.local @!p0 [hbm:s6], $0xF7A  }
0x23: {  	s9 =	sor.u32 $0xD0000000, s2;
	s6 =	simm.s32 $0x108;
	_ =	swait.ge @!p0 [sflag:s8], $0x0  }
0x24: {  	s3 =	sadd.s32 $0x88, s3;
	s6 =	simm.s32 @!p1 $0x1082;
	[sflag:s4] =	ssyncset.s32 $0xFFFFF086  }
0x25: {  	[simem:s6], [sflag:s4] =	dma.local [hbm:s3], $0xF7A  }
0x26: {  	[smem:$0x3F8F] =	sst s1;
	(tag) =	ssettag s2;
	_ =	strace s9  }
0x27: {  	s1 =	sld [smem:$0x3F9F]  }
0x28: {  	s2 =	sld [smem:$0x3FA0]  }
0x29: {  	s4 =	sld [smem:$0x3FA2]  }
0x2a: {  	p0 =	seq.s32 s5, $0x0;
	s5 =	sld [smem:$0x3FA3]  }
0x2b: {  	s6 =	sld [smem:$0x3FA4]  }
0x2c: {  	s7 =	sld [smem:$0x3FA5]  }
0x2d: {  	s3 =	simm.s32 $0x108;
	s8 =	sld [smem:$0x3FA6]  }
0x2e: {  	s3 =	simm.s32 @!p0 $0x1082;
	s9 =	sld [smem:$0x3FA7]  }
0x2f: {  	lr =	sadd.s32 s0, s3;
	s0 =	sld [smem:$0x3F9E]  }
0x30: {  	s3 =	sld [smem:$0x3FA1]  }
0x31: {  	[smem:$0x3FAA] =	sst s10  }
0x32: {  	s10 =	sld [smem:$0x3FA8];
	_ =	sdelay $0x3  }
0x33: {  	p0 =	seq.s32 s10, $0x1;
	s10 =	sld [smem:$0x3FAA];
	_ =	sdelay $0x3  }
0x34: {  	[smem:$0x3FAA] =	sst s10  }
0x35: {  	s10 =	sld [smem:$0x3FA9];
	_ =	sdelay $0x3  }
0x36: {  	p1 =	seq.s32 s10, $0x1;
	s10 =	sld [smem:$0x3FAA];
	_ =	sdelay $0x3  }
0x37: {  	[smem:$0x3FAA] =	sst s10  }
0x38: {  	s10 =	sld [smem:$0x3FAB]  }
0x39: {  	_ = 	snop;
	(pc) =	sbr.ind lr, $3  }
0x3a: {  	_ = 	snop  }
0x3b: {  	_ = 	snop  }
0x3c: {  	p2 =	seq.s32 s10, $0x1;
	s10 =	sld [smem:$0x3FAA]  }
0x3d: {  	_ =	shalt  }
0x3e: {  	_ =	shalt  }
0x3f: {  	_ =	shalt  }
0x40: {  	_ =	shalt  }
0x41: {  	_ =	shalt  }
0x42: {  	_ =	shalt  }
0x43: {  	_ =	shalt  }
0x44: {  	_ =	shalt  }
0x45: {  	_ =	shalt  }
0x46: {  	_ =	shalt  }
0x47: {  	_ =	shalt  }
0x48: {  	_ =	shalt  }
0x49: {  	_ =	shalt  }
0x4a: {  	_ =	shalt  }
0x4b: {  	_ =	shalt  }
0x4c: {  	_ =	shalt  }
0x4d: {  	_ =	shalt  }
0x4e: {  	_ =	shalt  }
0x4f: {  	_ =	shalt  }
0x50: {  	_ =	shalt  }
0x51: {  	_ =	shalt  }
0x52: {  	_ =	shalt  }
0x53: {  	_ =	shalt  }
0x54: {  	_ =	shalt  }
0x55: {  	_ =	shalt  }
0x56: {  	_ =	shalt  }
0x57: {  	_ =	shalt  }
0x58: {  	_ =	shalt  }
0x59: {  	_ =	shalt  }
0x5a: {  	_ =	shalt  }
0x5b: {  	_ =	shalt  }
0x5c: {  	_ =	shalt  }
0x5d: {  	_ =	shalt  }
0x5e: {  	_ =	shalt  }
0x5f: {  	_ =	shalt  }
0x60: {  	_ =	shalt  }
0x61: {  	_ =	shalt  }
0x62: {  	_ =	shalt  }
0x63: {  	_ =	shalt  }
0x64: {  	_ =	shalt  }
0x65: {  	_ =	shalt  }
0x66: {  	_ =	shalt  }
0x67: {  	_ =	shalt  }
0x68: {  	_ =	shalt  }
0x69: {  	_ =	shalt  }
0x6a: {  	_ =	shalt  }
0x6b: {  	_ =	shalt  }
0x6c: {  	_ =	shalt  }
0x6d: {  	_ =	shalt  }
0x6e: {  	_ =	shalt  }
0x6f: {  	_ =	shalt  }
0x70: {  	_ =	shalt  }
0x71: {  	_ =	shalt  }
0x72: {  	_ =	shalt  }
0x73: {  	_ =	shalt  }
0x74: {  	_ =	shalt  }
0x75: {  	_ =	shalt  }
0x76: {  	_ =	shalt  }
0x77: {  	_ =	shalt  }
0x78: {  	_ =	shalt  }
0x79: {  	_ =	shalt  }
0x7a: {  	_ =	shalt  }
0x7b: {  	_ =	shalt  }
0x7c: {  	_ =	shalt  }
0x7d: {  	_ =	shalt  }
0x7e: {  	_ =	shalt  }
0x7f: {  	_ =	shalt  }
0x80: {  	_ =	shalt  }
0x81: {  	_ =	shalt  }
0x82: {  	_ =	shalt  }
0x83: {  	_ =	shalt  }
0x84: {  	_ =	shalt  }
0x85: {  	_ =	shalt  }
0x86: {  	_ =	shalt  }
0x87: {  	_ =	shalt  }
.Lfunc_end0:
.L_simem_size_0:
called_computation_lowered:
.L_overlay_start_0:
0x88: {  	s2 =	sld [smem:$0x3FD9]  }
0x89: {  	s3 =	sld [smem:$0x3FFE];
	_ =	sdelay $0x1  }
0x8a: {  	s1 =	srdreg.scid  }
0x8b: {  	s0 =	sand.u32 $0x1, s1  }
0x8c: {  	s16 =	sshll.u32 s0, $0xA;
	s2 =	sadd.s32 s3, s2  }
0x8d: {  	s2 =	sadd.s32 s2, s16  }
0x8e: {  	[smem:$0x3FB6] =	sst s2  }
0x8f: {  	_ = 	snop  }
0x90: {  	(tm) =	ssettm $0x1  }
0x91: {  	s17 =	sld [smem:$0x3FFB];
	_ =	sdelay $0x3  }
0x92: {  	_ =	strace s17  }
0x93: {  	s2 =	sld [smem:$0x3FFC];
	_ =	sdelay $0x3  }
0x94: {  	_ =	strace s2  }
0x95: {  	s2 =	sld [smem:$0x3FFD];
	_ =	sdelay $0x3  }
0x96: {  	_ =	strace s2  }
0x97: {  	_ =	strace $0x8FFFFFFF  }
0x98: {  	s18 =	sld [smem:$0x3FDB];
	_ =	sdelay $0x1  }
0x99: {  	s19 =	simm.s32 $_scs_section_size  }
0x9a: {  	s4 =	simm.s32 $_size__tile_overlayer_lowered;
	s5 =	simm.s32 $_tile_overlayer_lowered  }
0x9b: {  	s22 =	simm.s32 $0x1BFF;
	s21 =	sshll.u32 s5, $0x1;
	s2 =	sadd.s32 s19, s18  }
0x9c: {  	s6 =	simm.s32 $0x0;
	s20 =	sshll.u32 s4, $0x1;
	s4 =	sadd.s32 s21, s2  }
0x9d: {  	[timem:s6], [sflag:s22] =	dma.local [hbm:s4], s20  }
0x9e: {  	_ =	swait.ge [sflag:s22], s20  }
0x9f: {  	s3 =	ssub.s32 $0x0, s20;
	[sflag:s22] =	ssyncset.done $0x0  }
0xa0: {  	[sflag:s22] =	ssyncadd.s32 s3;
	_ =	sdelay $0x1  }
0xa1: {  	s23 =	simm.s32 $0x1B8B  }
0xa2: {  	_ =	swait.ge [sflag:s23], $0x1  }
0xa3: {  	[sflag:s23] =	ssyncset.done $0x0  }
0xa4: {  	s25 =	simm.s32 $0x1B8E;
	s24 =	sld [smem:$0x3FFE];
	[sflag:s23] =	ssyncadd.s32 $0xFFFFFFFF  }
0xa5: {  	s26 =	simm.s32 $execute0_lowered;
	[smem:$0x3FD2] =	sst s25  }
0xa6: {  	s4 =	sshll.u32 s26, $0x1;
	_ =	strace $0x80000046;
	[dreg:$0x1] =	wrdreg $0xFFFFFFFF  }
0xa7: {  	s28 =	simm.s32 $_size_execute0_lowered;
	s2 =	sadd.s32 s2, s4;
	[dreg:$0x0] =	wrdreg $0x0  }
0xa8: {  	s4 =	sshll.u32 s28, $0x1;
	[dreg:$0x2] =	wrdreg s2  }
0xa9: {  	[dreg:$0x3] =	wrdreg s4  }
0xaa: {  	[dreg:$0x4] =	wrdreg $0xC0  }
0xab: {  	_ =	task [dreg:s6], $0x5FFFF  }
0xac: {  	[dreg:$0x1] =	wrdreg $0xFFFFFFFF  }
0xad: {  	[dreg:$0x0] =	wrdreg $0x60  }
0xae: {  	[dreg:$0x2] =	wrdreg s24  }
0xaf: {  	[dreg:$0x3] =	wrdreg $0x9  }
0xb0: {  	_ =	task.clear_ibuf [dreg:s6], $0x4FFFF;
	_ =	strace $0x90000046  }
0xb1: {  	s29 =	simm.s32 $0x9;
	_ =	strace $0x80000048  }
0xb2: {  	_ =	swait.ge [sflag:s29], $0x1  }
0xb3: {  	[sflag:s29] =	ssyncadd.s32 $0xFFFFFFFF  }
0xb4: {  	_ =	strace $0x90000048  }
0xb5: {  	_ =	sfence  }
0xb6: {  	s30 =	sld [smem:$0x0];
	_ =	sdelay $0x2  }
0xb7: {  	s31 =	sshll.u32 s1, $0xD;
	s1 =	sshrl.u32 s1, $0x2  }
0xb8: {  	s3 =	sand.u32 $0x4000, s31;
	s1 =	sadd.s32 s1, s30  }
0xb9: {  	s0 =	sor.u32 s3, s0;
	s1 =	sshll.u32 s1, $0x11  }
0xba: {  	s0 =	sor.u32 s1, s0  }
0xbb: {  	s0 =	sadd.s32 $0x8F2B, s0  }
0xbc: {  	[sflag:s0] =	ssyncadd.remote.s32 $0x1  }
0xbd: {  	_ =	sfence.sel $0xFFFF  }
0xbe: {  	[dreg:$0x0] =	wrdreg $0xFFFFFFFF;
	(pc) =	sbr.abs _section_cstart, $3  }
0xbf: {  	[dreg:$0x1] =	wrdreg $0xFFFFFFFF  }
0xc0: {  	_ =	task.clear_ibuf [dreg:s6], $0x2FFFF;
	_ =	strace $0x9FFFFFFF  }
0xc1: {  	(tm) =	ssettm $0x7FFFFFFF  }
tec
execute0_lowered:
.L_overlay_start_1:
0x0: {  	(tag) =	ssettag $0x1  }
0x1: {  	s1 =	srdreg.scid  }
0x2: {  	s0 =	stileid.u32;
	s4 =	rddreg [dreg:$0x0]  }
0x3: {  	s2 =	simm.s32 $0x0;
	s11 =	simm.s32 $0x1;
	s12 =	simm.s32 $0x4800  }
0x4: {  	s13 =	simm.s32 $0x9000;
	s14 =	simm.s32 $0xD800;
	s15 =	simm.s32 $0x12000  }
0x5: {  	s16 =	simm.s32 $0x13F80;
	s3 =	sand.u32 $0x1, s1;
	s31 =	sshll.u32 s0, $0x1  }
0x6: {  	s17 =	simm.s32 $0x15F00;
	s18 =	simm.s32 $0x0;
	s5 =	sor.u32 s3, s31  }
0x7: {  	s1 =	rddreg [dreg:$0x1];
	s3 =	ssub.s32 $0x2, s3;
	s6 =	smul.u32 $0x900, s5  }
0x8: {  	[smem:$0x7FF] =	sst s2;
	s5 =	smul.u32 $0x3F0, s5;
	s7 =	sshrl.u32 s3, $0x1  }
0x9: {  	_ =	strace $0x80000047;
	s10 =	ssub.s32 s3, s7;
	s6 =	sadd.s32 s6, s4  }
0xa: {  	s9 =	sadd.s32 s5, s4;
	s10 =	smax.u32 s10, $0x1;
	s3 =	sadd.s32 $0x6600, s6  }
0xb: {  	s4 =	sadd.s32 $0x18600, s6;
	s5 =	sadd.s32 $0x2A600, s6;
	s6 =	sadd.s32 $0x3C600, s6  }
0xc: {  	v0 =	vimm.f32 $0.0e+00;
	s7 =	sadd.s32 $0x4E600, s9;
	s8 =	sadd.s32 $0x56400, s9;
	s9 =	sadd.s32 $0x5E200, s9  }
.LBB2_1:
0xd: {  	[tilespmem:s2], [sflag:$0x1] =	stream.linear.gather [hbm4b:s3+s2], $0x4800, $0x38;
	[tilespmem:$0x17E80] =	vst v63  }
0xe: {  	_ =	swait.ge [sflag:s11], $0x4800  }
0xf: {  	[sflag:s11] =	ssyncset.done $0x0  }
0x10: {  	[sflag:s11] =	ssyncadd.s32 $0xFFFFB800  }
0x11: {  	[tilespmem:s12], [sflag:$0x1] =	stream.linear.gather [hbm4b:s4+s2], $0x4800, $0x38;
	[tilespmem:$0x17E80] =	vst v63  }
0x12: {  	_ =	swait.ge [sflag:s11], $0x4800  }
0x13: {  	[sflag:s11] =	ssyncset.done $0x0  }
0x14: {  	[sflag:s11] =	ssyncadd.s32 $0xFFFFB800  }
0x15: {  	[tilespmem:s13], [sflag:$0x1] =	stream.linear.gather [hbm4b:s5+s2], $0x4800, $0x38;
	[tilespmem:$0x17E80] =	vst v63  }
0x16: {  	_ =	swait.ge [sflag:s11], $0x4800  }
0x17: {  	[sflag:s11] =	ssyncset.done $0x0  }
0x18: {  	[sflag:s11] =	ssyncadd.s32 $0xFFFFB800  }
0x19: {  	[tilespmem:s14], [sflag:$0x1] =	stream.linear.gather [hbm4b:s6+s2], $0x4800, $0x38;
	[tilespmem:$0x17E80] =	vst v63  }
0x1a: {  	_ =	swait.ge [sflag:s11], $0x4800  }
0x1b: {  	[sflag:s11] =	ssyncset.done $0x0  }
0x1c: {  	s19 =	simm.s32 $0x40;
	s20 =	simm.s32 $0x0;
	[sflag:s11] =	ssyncadd.s32 $0xFFFFB800  }
.LBB2_2:
0x1d: {  	p0 =	sne.s32 s19, $0x7DC0;
	[tilespmem:s20+$0x15F00] =	vst v0;
	s21 =	smov.u32 s19;
	s19 =	sadd.s32 $0x40, s19  }
.Ltmp0:
0x1e: {  	[tilespmem:s20+$0x12000] =	vst v0;
	(pc) =	sbr.rel @p0 .LBB2_2-.Ltmp0, $2  }
0x1f: {  	[tilespmem:s20+$0x13F80] =	vst v0;
	_ =	sdelay $0x2  }
0x20: {  	s20 =	sshra.s32 s21, $0x2  }
0x21: {  	[tilespmem:s20+$0x15F00] =	vst v0  }
0x22: {  	[tilespmem:s20+$0x12000] =	vst v0  }
0x23: {  	[tilespmem:s20+$0x13F80] =	vst v0;
	s22 =	simm.s32 $0x0  }
0x24: {  	v1 =	vld [tilespmem:s22+$0x0];
	_ =	sdelay $0x2  }
0x25: {  	v2 =	vld [tilespmem:s22+$0x4800];
	_ =	sdelay $0x4  }
0x26: {  	[tilespmem:v1+s15+$0x0] =	vst.idx.msk $0xffff, v2  }
0x27: {  	v2 =	vld [tilespmem:s22+$0x9000];
	_ =	sdelay $0x4  }
0x28: {  	[tilespmem:v1+s16+$0x0] =	vst.idx.msk $0xffff, v2  }
0x29: {  	s19 =	simm.s32 $0x0;
	s20 =	simm.s32 $0x40;
	s21 =	simm.s32 $0x80;
	v2 =	vld [tilespmem:s22+$0xD800]  }
.LBB2_4:
0x2a: {  	_ =	sdelay $0x2  }
0x2b: {  	p0 =	sne.s32 s21, $0x23C0  }
0x2c: {  	s22 =	sshra.s32 s20, $0x2;
	s20 =	smov.u32 s21;
	s21 =	sadd.s32 $0x40, s21;
	[tilespmem:v1+s17+$0x0] =	vst.idx.msk $0xffff, v2  }
0x2d: {  	v1 =	vld [tilespmem:s22+$0x0];
	_ =	sdelay $0x2  }
0x2e: {  	v2 =	vld [tilespmem:s22+$0x4800];
	_ =	sdelay $0x4  }
0x2f: {  	[tilespmem:v1+s15+$0x0] =	vst.idx.msk $0xffff, v2  }
0x30: {  	v2 =	vld [tilespmem:s22+$0x9000];
	_ =	sdelay $0x1  }
.Ltmp1:
0x31: {  	(pc) =	sbr.rel @p0 .LBB2_4-.Ltmp1, $3  }
0x32: {  	_ =	sdelay $0x1  }
0x33: {  	[tilespmem:v1+s16+$0x0] =	vst.idx.msk $0xffff, v2  }
0x34: {  	v2 =	vld [tilespmem:s22+$0xD800]  }
0x35: {  	_ =	sdelay $0x3  }
0x36: {  	s20 =	sshra.s32 s20, $0x2;
	[tilespmem:v1+s17+$0x0] =	vst.idx.msk $0xffff, v2  }
0x37: {  	v1 =	vld [tilespmem:s20+$0x0];
	_ =	sdelay $0x2  }
0x38: {  	v2 =	vld [tilespmem:s20+$0x4800];
	_ =	sdelay $0x4  }
0x39: {  	[tilespmem:v1+s15+$0x0] =	vst.idx.msk $0xffff, v2  }
0x3a: {  	v2 =	vld [tilespmem:s20+$0x9000];
	_ =	sdelay $0x4  }
0x3b: {  	[tilespmem:v1+s16+$0x0] =	vst.idx.msk $0xffff, v2  }
0x3c: {  	v2 =	vld [tilespmem:s20+$0xD800];
	_ =	sdelay $0x4  }
0x3d: {  	s21 =	sand.u32 $0xFF0, s19;
	[tilespmem:v1+s17+$0x0] =	vst.idx.msk $0xffff, v2  }
0x3e: {  	v1 =	vld [tilespmem:s21+$0x900];
	_ =	sdelay $0x4  }
0x3f: {  	v2 =	vld [tilespmem:s21+$0x5100];
	v1 =	vadd.s32 $0x3F0, v1;
	_ =	sdelay $0x4  }
0x40: {  	[tilespmem:v1+s15+$0x0] =	vst.idx.msk $0xffff, v2  }
0x41: {  	v2 =	vld [tilespmem:s21+$0x9900];
	_ =	sdelay $0x4  }
0x42: {  	[tilespmem:v1+s16+$0x0] =	vst.idx.msk $0xffff, v2  }
0x43: {  	v2 =	vld [tilespmem:s21+$0xE100];
	_ =	sdelay $0x2  }
0x44: {  	s19 =	simm.s32 $0x10;
	s20 =	simm.s32 $0x20  }
.LBB2_6:
0x45: {  	p0 =	sne.s32 s20, $0x8F0  }
0x46: {  	s21 =	sand.u32 $0xFF0, s19;
	[tilespmem:v1+s17+$0x0] =	vst.idx.msk $0xffff, v2;
	s19 =	smov.u32 s20;
	s20 =	sadd.s32 $0x10, s20  }
0x47: {  	v1 =	vld [tilespmem:s21+$0x900];
	_ =	sdelay $0x4  }
0x48: {  	v1 =	vadd.s32 $0x3F0, v1;
	v2 =	vld [tilespmem:s21+$0x5100];
	_ =	sdelay $0x4  }
0x49: {  	[tilespmem:v1+s15+$0x0] =	vst.idx.msk $0xffff, v2  }
0x4a: {  	v2 =	vld [tilespmem:s21+$0x9900];
	_ =	sdelay $0x4  }
0x4b: {  	[tilespmem:v1+s16+$0x0] =	vst.idx.msk $0xffff, v2  }
.Ltmp2:
0x4c: {  	v2 =	vld [tilespmem:s21+$0xE100];
	(pc) =	sbr.rel @p0 .LBB2_6-.Ltmp2, $1  }
0x4d: {  	_ =	sdelay $0x3  }
0x4e: {  	_ =	sdelay $0x3  }
0x4f: {  	s19 =	sand.u32 $0xFF0, s19;
	[tilespmem:v1+s17+$0x0] =	vst.idx.msk $0xffff, v2  }
0x50: {  	v1 =	vld [tilespmem:s19+$0x900];
	_ =	sdelay $0x4  }
0x51: {  	v2 =	vld [tilespmem:s19+$0x5100];
	v1 =	vadd.s32 $0x3F0, v1;
	_ =	sdelay $0x4  }
0x52: {  	[tilespmem:v1+s15+$0x0] =	vst.idx.msk $0xffff, v2  }
0x53: {  	v2 =	vld [tilespmem:s19+$0x9900];
	_ =	sdelay $0x4  }
0x54: {  	[tilespmem:v1+s16+$0x0] =	vst.idx.msk $0xffff, v2  }
0x55: {  	p1 =	por $0x1, $0x1;
	v2 =	vld [tilespmem:s19+$0xE100]  }
.Ltmp3:
0x56: {  	_ = 	snop;
	(pc) =	sbr.rel @!p1 .LBB2_11-.Ltmp3, $3  }
0x57: {  	_ =	sdelay $0x1  }
0x58: {  	s20 =	simm.s32 $0x0;
	p0 =	por $0x0, $0x0  }
0x59: {  	s21 =	simm.s32 $0x0;
	p2 =	por $0x0, $0x0;
	s19 =	simm.s32 $0x10;
	[tilespmem:v1+s17+$0x0] =	vst.idx.msk $0xffff, v2  }
0x5a: {  	s21 =	sand.u32 $0xFF0, s20  }
0x5b: {  	v1 =	vld [tilespmem:s21+$0x1200];
	_ =	sdelay $0x4  }
0x5c: {  	v2 =	vld [tilespmem:s21+$0x5A00];
	v1 =	vadd.s32 $0x7E0, v1;
	_ =	sdelay $0x4  }
0x5d: {  	[tilespmem:v1+s15+$0x0] =	vst.idx.msk $0xffff, v2  }
0x5e: {  	v2 =	vld [tilespmem:s21+$0xA200]  }
0x5f: {  	p3 =	por $0x1, $0x1  }
.Ltmp4:
0x60: {  	_ = 	snop;
	(pc) =	sbr.rel @!p3 .LBB2_9-.Ltmp4, $3  }
0x61: {  	_ =	sdelay $0x1  }
0x62: {  	[tilespmem:v1+s16+$0x0] =	vst.idx.msk $0xffff, v2  }
0x63: {  	s22 =	simm.s32 $0x20;
	p2 =	por $0x1, $0x1;
	v2 =	vld [tilespmem:s21+$0xEA00];
	s21 =	simm.s32 $0x10  }
.LBB2_10:
0x64: {  	_ =	sdelay $0x2  }
0x65: {  	p3 =	sne.s32 s22, $0x8F0  }
0x66: {  	s23 =	sand.u32 $0xFF0, s21;
	s21 =	smov.u32 s22;
	s22 =	sadd.s32 $0x10, s22;
	[tilespmem:v1+s17+$0x0] =	vst.idx.msk $0xffff, v2  }
0x67: {  	v1 =	vld [tilespmem:s23+$0x1200];
	_ =	sdelay $0x4  }
0x68: {  	v1 =	vadd.s32 $0x7E0, v1;
	v2 =	vld [tilespmem:s23+$0x5A00];
	_ =	sdelay $0x4  }
0x69: {  	[tilespmem:v1+s15+$0x0] =	vst.idx.msk $0xffff, v2  }
0x6a: {  	v2 =	vld [tilespmem:s23+$0xA200];
	_ =	sdelay $0x1  }
.Ltmp5:
0x6b: {  	(pc) =	sbr.rel @p3 .LBB2_10-.Ltmp5, $3  }
0x6c: {  	_ =	sdelay $0x1  }
0x6d: {  	[tilespmem:v1+s16+$0x0] =	vst.idx.msk $0xffff, v2  }
0x6e: {  	v2 =	vld [tilespmem:s23+$0xEA00]  }
.LBB2_11:
0x6f: {  	_ =	sdelay $0x3  }
0x70: {  	s21 =	sand.u32 $0xFF0, s21;
	[tilespmem:v1+s17+$0x0] =	vst.idx.msk @p2 $0xffff, v2  }
0x71: {  	v1 =	vld [tilespmem:s21+$0x1200];
	_ =	sdelay $0x4  }
0x72: {  	v2 =	vld [tilespmem:s21+$0x5A00];
	v1 =	vadd.s32 $0x7E0, v1;
	_ =	sdelay $0x4  }
0x73: {  	[tilespmem:v1+s15+$0x0] =	vst.idx.msk $0xffff, v2  }
0x74: {  	v2 =	vld [tilespmem:s21+$0xA200];
	_ =	sdelay $0x4  }
0x75: {  	[tilespmem:v1+s16+$0x0] =	vst.idx.msk $0xffff, v2  }
0x76: {  	v2 =	vld [tilespmem:s21+$0xEA00]  }
.Ltmp6:
0x77: {  	_ = 	snop;
	(pc) =	sbr.rel @!p1 .LBB2_12-.Ltmp6, $2  }
0x78: {  	_ =	sdelay $0x2  }
0x79: {  	[tilespmem:v1+s17+$0x0] =	vst.idx.msk $0xffff, v2  }
0x7a: {  	s21 =	sand.u32 $0xFF0, s20  }
0x7b: {  	v1 =	vld [tilespmem:s21+$0x1B00];
	_ =	sdelay $0x4  }
0x7c: {  	v2 =	vld [tilespmem:s21+$0x6300];
	v1 =	vadd.s32 $0xBD0, v1;
	_ =	sdelay $0x4  }
0x7d: {  	[tilespmem:v1+s15+$0x0] =	vst.idx.msk $0xffff, v2  }
0x7e: {  	v2 =	vld [tilespmem:s21+$0xAB00];
	_ =	sdelay $0x3  }
0x7f: {  	p1 =	por $0x1, $0x1  }
.Ltmp7:
0x80: {  	[tilespmem:v1+s16+$0x0] =	vst.idx.msk $0xffff, v2;
	(pc) =	sbr.rel @!p1 .LBB2_14-.Ltmp7, $2  }
0x81: {  	v2 =	vld [tilespmem:s21+$0xF300];
	_ =	sdelay $0x2  }
0x82: {  	s20 =	simm.s32 $0x20;
	p0 =	por $0x1, $0x1  }
.LBB2_15:
0x83: {  	p1 =	sne.s32 s20, $0x8F0  }
0x84: {  	s21 =	sand.u32 $0xFF0, s19;
	[tilespmem:v1+s17+$0x0] =	vst.idx.msk $0xffff, v2;
	s19 =	smov.u32 s20;
	s20 =	sadd.s32 $0x10, s20  }
0x85: {  	v1 =	vld [tilespmem:s21+$0x1B00];
	_ =	sdelay $0x4  }
0x86: {  	v1 =	vadd.s32 $0xBD0, v1;
	v2 =	vld [tilespmem:s21+$0x6300];
	_ =	sdelay $0x4  }
0x87: {  	[tilespmem:v1+s15+$0x0] =	vst.idx.msk $0xffff, v2  }
0x88: {  	v2 =	vld [tilespmem:s21+$0xAB00];
	_ =	sdelay $0x4  }
0x89: {  	[tilespmem:v1+s16+$0x0] =	vst.idx.msk $0xffff, v2  }
.Ltmp8:
0x8a: {  	v2 =	vld [tilespmem:s21+$0xF300];
	(pc) =	sbr.rel @p1 .LBB2_15-.Ltmp8, $1  }
0x8b: {  	_ =	sdelay $0x3  }
0x8c: {  	s20 =	smov.u32 s19  }
.LBB2_17:
0x8d: {  	_ =	sdelay $0x3  }
0x8e: {  	s19 =	sand.u32 $0xFF0, s20;
	[tilespmem:v1+s17+$0x0] =	vst.idx.msk @p0 $0xffff, v2  }
0x8f: {  	v1 =	vld [tilespmem:s19+$0x1B00];
	_ =	sdelay $0x4  }
0x90: {  	v2 =	vld [tilespmem:s19+$0x6300];
	v1 =	vadd.s32 $0xBD0, v1;
	_ =	sdelay $0x4  }
0x91: {  	[tilespmem:v1+s15+$0x0] =	vst.idx.msk $0xffff, v2  }
0x92: {  	v2 =	vld [tilespmem:s19+$0xAB00];
	_ =	sdelay $0x4  }
0x93: {  	[tilespmem:v1+s16+$0x0] =	vst.idx.msk $0xffff, v2  }
0x94: {  	p1 =	por $0x1, $0x1;
	v2 =	vld [tilespmem:s19+$0xF300]  }
.Ltmp9:
0x95: {  	_ = 	snop;
	(pc) =	sbr.rel @!p1 .LBB2_21-.Ltmp9, $3  }
0x96: {  	_ =	sdelay $0x1  }
0x97: {  	s20 =	simm.s32 $0x0;
	p0 =	por $0x0, $0x0  }
0x98: {  	s21 =	simm.s32 $0x0;
	p2 =	por $0x0, $0x0;
	s19 =	simm.s32 $0x10;
	[tilespmem:v1+s17+$0x0] =	vst.idx.msk $0xffff, v2  }
0x99: {  	s21 =	sand.u32 $0xFF0, s20  }
0x9a: {  	v1 =	vld [tilespmem:s21+$0x2400];
	_ =	sdelay $0x4  }
0x9b: {  	v2 =	vld [tilespmem:s21+$0x6C00];
	v1 =	vadd.s32 $0xFC0, v1;
	_ =	sdelay $0x4  }
0x9c: {  	[tilespmem:v1+s15+$0x0] =	vst.idx.msk $0xffff, v2  }
0x9d: {  	v2 =	vld [tilespmem:s21+$0xB400]  }
0x9e: {  	p3 =	por $0x1, $0x1  }
.Ltmp10:
0x9f: {  	_ = 	snop;
	(pc) =	sbr.rel @!p3 .LBB2_19-.Ltmp10, $3  }
0xa0: {  	_ =	sdelay $0x1  }
0xa1: {  	[tilespmem:v1+s16+$0x0] =	vst.idx.msk $0xffff, v2  }
0xa2: {  	s22 =	simm.s32 $0x20;
	p2 =	por $0x1, $0x1;
	v2 =	vld [tilespmem:s21+$0xFC00];
	s21 =	simm.s32 $0x10  }
.LBB2_20:
0xa3: {  	_ =	sdelay $0x2  }
0xa4: {  	p3 =	sne.s32 s22, $0x8F0  }
0xa5: {  	s23 =	sand.u32 $0xFF0, s21;
	s21 =	smov.u32 s22;
	s22 =	sadd.s32 $0x10, s22;
	[tilespmem:v1+s17+$0x0] =	vst.idx.msk $0xffff, v2  }
0xa6: {  	v1 =	vld [tilespmem:s23+$0x2400];
	_ =	sdelay $0x4  }
0xa7: {  	v1 =	vadd.s32 $0xFC0, v1;
	v2 =	vld [tilespmem:s23+$0x6C00];
	_ =	sdelay $0x4  }
0xa8: {  	[tilespmem:v1+s15+$0x0] =	vst.idx.msk $0xffff, v2  }
0xa9: {  	v2 =	vld [tilespmem:s23+$0xB400];
	_ =	sdelay $0x1  }
.Ltmp11:
0xaa: {  	(pc) =	sbr.rel @p3 .LBB2_20-.Ltmp11, $3  }
0xab: {  	_ =	sdelay $0x1  }
0xac: {  	[tilespmem:v1+s16+$0x0] =	vst.idx.msk $0xffff, v2  }
0xad: {  	v2 =	vld [tilespmem:s23+$0xFC00]  }
.LBB2_21:
0xae: {  	_ =	sdelay $0x3  }
0xaf: {  	s21 =	sand.u32 $0xFF0, s21;
	[tilespmem:v1+s17+$0x0] =	vst.idx.msk @p2 $0xffff, v2  }
0xb0: {  	v1 =	vld [tilespmem:s21+$0x2400];
	_ =	sdelay $0x4  }
0xb1: {  	v2 =	vld [tilespmem:s21+$0x6C00];
	v1 =	vadd.s32 $0xFC0, v1;
	_ =	sdelay $0x4  }
0xb2: {  	[tilespmem:v1+s15+$0x0] =	vst.idx.msk $0xffff, v2  }
0xb3: {  	v2 =	vld [tilespmem:s21+$0xB400];
	_ =	sdelay $0x4  }
0xb4: {  	[tilespmem:v1+s16+$0x0] =	vst.idx.msk $0xffff, v2  }
0xb5: {  	v2 =	vld [tilespmem:s21+$0xFC00]  }
.Ltmp12:
0xb6: {  	_ = 	snop;
	(pc) =	sbr.rel @!p1 .LBB2_22-.Ltmp12, $2  }
0xb7: {  	_ =	sdelay $0x2  }
0xb8: {  	[tilespmem:v1+s17+$0x0] =	vst.idx.msk $0xffff, v2  }
0xb9: {  	s20 =	sand.u32 $0xFF0, s20  }
0xba: {  	v1 =	vld [tilespmem:s20+$0x2D00];
	_ =	sdelay $0x4  }
0xbb: {  	v2 =	vld [tilespmem:s20+$0x7500];
	v1 =	vadd.s32 $0x13B0, v1;
	_ =	sdelay $0x4  }
0xbc: {  	[tilespmem:v1+s15+$0x0] =	vst.idx.msk $0xffff, v2  }
0xbd: {  	v2 =	vld [tilespmem:s20+$0xBD00];
	_ =	sdelay $0x3  }
0xbe: {  	p1 =	por $0x1, $0x1  }
.Ltmp13:
0xbf: {  	s21 =	sadd.s32 $0x2D00, s20;
	[tilespmem:v1+s16+$0x0] =	vst.idx.msk $0xffff, v2;
	(pc) =	sbr.rel @!p1 .LBB2_24-.Ltmp13, $2  }
0xc0: {  	v2 =	vld [tilespmem:s21+$0xD800];
	_ =	sdelay $0x2  }
0xc1: {  	p0 =	por $0x1, $0x1;
	s20 =	simm.s32 $0x20  }
.LBB2_25:
0xc2: {  	p1 =	sne.s32 s20, $0x8F0  }
0xc3: {  	s21 =	sand.u32 $0xFF0, s19;
	[tilespmem:v1+s17+$0x0] =	vst.idx.msk $0xffff, v2;
	s19 =	smov.u32 s20;
	s20 =	sadd.s32 $0x10, s20  }
0xc4: {  	v1 =	vld [tilespmem:s21+$0x2D00];
	_ =	sdelay $0x4  }
0xc5: {  	v1 =	vadd.s32 $0x13B0, v1;
	v2 =	vld [tilespmem:s21+$0x7500];
	_ =	sdelay $0x4  }
0xc6: {  	[tilespmem:v1+s15+$0x0] =	vst.idx.msk $0xffff, v2  }
0xc7: {  	v2 =	vld [tilespmem:s21+$0xBD00];
	_ =	sdelay $0x4  }
0xc8: {  	s21 =	sadd.s32 $0x2D00, s21;
	[tilespmem:v1+s16+$0x0] =	vst.idx.msk $0xffff, v2  }
.Ltmp14:
0xc9: {  	v2 =	vld [tilespmem:s21+$0xD800];
	(pc) =	sbr.rel @p1 .LBB2_25-.Ltmp14, $1  }
0xca: {  	_ =	sdelay $0x3  }
0xcb: {  	s20 =	smov.u32 s19  }
.LBB2_27:
0xcc: {  	_ =	sdelay $0x3  }
0xcd: {  	s19 =	sand.u32 $0xFF0, s20;
	[tilespmem:v1+s17+$0x0] =	vst.idx.msk @p0 $0xffff, v2  }
0xce: {  	v1 =	vld [tilespmem:s19+$0x2D00];
	_ =	sdelay $0x4  }
0xcf: {  	v2 =	vld [tilespmem:s19+$0x7500];
	v1 =	vadd.s32 $0x13B0, v1;
	_ =	sdelay $0x4  }
0xd0: {  	[tilespmem:v1+s15+$0x0] =	vst.idx.msk $0xffff, v2  }
0xd1: {  	v2 =	vld [tilespmem:s19+$0xBD00];
	_ =	sdelay $0x4  }
0xd2: {  	s19 =	sadd.s32 $0x2D00, s19;
	[tilespmem:v1+s16+$0x0] =	vst.idx.msk $0xffff, v2  }
0xd3: {  	p1 =	por $0x1, $0x1;
	v2 =	vld [tilespmem:s19+$0xD800]  }
.Ltmp15:
0xd4: {  	_ = 	snop;
	(pc) =	sbr.rel @!p1 .LBB2_31-.Ltmp15, $3  }
0xd5: {  	_ =	sdelay $0x1  }
0xd6: {  	s20 =	simm.s32 $0x0;
	p0 =	por $0x0, $0x0  }
0xd7: {  	s21 =	simm.s32 $0x0;
	p2 =	por $0x0, $0x0;
	s19 =	simm.s32 $0x10;
	[tilespmem:v1+s17+$0x0] =	vst.idx.msk $0xffff, v2  }
0xd8: {  	s21 =	sand.u32 $0xFF0, s20  }
0xd9: {  	v1 =	vld [tilespmem:s21+$0x3600];
	_ =	sdelay $0x4  }
0xda: {  	v2 =	vld [tilespmem:s21+$0x7E00];
	v1 =	vadd.s32 $0x17A0, v1;
	_ =	sdelay $0x4  }
0xdb: {  	[tilespmem:v1+s15+$0x0] =	vst.idx.msk $0xffff, v2  }
0xdc: {  	v2 =	vld [tilespmem:s21+$0xC600]  }
0xdd: {  	p3 =	por $0x1, $0x1  }
.Ltmp16:
0xde: {  	_ = 	snop;
	(pc) =	sbr.rel @!p3 .LBB2_29-.Ltmp16, $3  }
0xdf: {  	_ =	sdelay $0x1  }
0xe0: {  	s21 =	sadd.s32 $0x3600, s21;
	[tilespmem:v1+s16+$0x0] =	vst.idx.msk $0xffff, v2  }
0xe1: {  	s22 =	simm.s32 $0x20;
	p2 =	por $0x1, $0x1;
	v2 =	vld [tilespmem:s21+$0xD800];
	s21 =	simm.s32 $0x10  }
.LBB2_30:
0xe2: {  	_ =	sdelay $0x2  }
0xe3: {  	p3 =	sne.s32 s22, $0x8F0  }
0xe4: {  	s23 =	sand.u32 $0xFF0, s21;
	s21 =	smov.u32 s22;
	s22 =	sadd.s32 $0x10, s22;
	[tilespmem:v1+s17+$0x0] =	vst.idx.msk $0xffff, v2  }
0xe5: {  	v1 =	vld [tilespmem:s23+$0x3600];
	_ =	sdelay $0x4  }
0xe6: {  	v1 =	vadd.s32 $0x17A0, v1;
	v2 =	vld [tilespmem:s23+$0x7E00];
	_ =	sdelay $0x4  }
0xe7: {  	[tilespmem:v1+s15+$0x0] =	vst.idx.msk $0xffff, v2  }
0xe8: {  	v2 =	vld [tilespmem:s23+$0xC600];
	_ =	sdelay $0x1  }
.Ltmp17:
0xe9: {  	(pc) =	sbr.rel @p3 .LBB2_30-.Ltmp17, $3  }
0xea: {  	_ =	sdelay $0x1  }
0xeb: {  	s23 =	sadd.s32 $0x3600, s23;
	[tilespmem:v1+s16+$0x0] =	vst.idx.msk $0xffff, v2  }
0xec: {  	v2 =	vld [tilespmem:s23+$0xD800]  }
.LBB2_31:
0xed: {  	_ =	sdelay $0x3  }
0xee: {  	s21 =	sand.u32 $0xFF0, s21;
	[tilespmem:v1+s17+$0x0] =	vst.idx.msk @p2 $0xffff, v2  }
0xef: {  	v1 =	vld [tilespmem:s21+$0x3600];
	_ =	sdelay $0x4  }
0xf0: {  	v2 =	vld [tilespmem:s21+$0x7E00];
	v1 =	vadd.s32 $0x17A0, v1;
	_ =	sdelay $0x4  }
0xf1: {  	[tilespmem:v1+s15+$0x0] =	vst.idx.msk $0xffff, v2  }
0xf2: {  	v2 =	vld [tilespmem:s21+$0xC600];
	_ =	sdelay $0x4  }
0xf3: {  	s21 =	sadd.s32 $0x3600, s21;
	[tilespmem:v1+s16+$0x0] =	vst.idx.msk $0xffff, v2  }
0xf4: {  	v2 =	vld [tilespmem:s21+$0xD800]  }
.Ltmp18:
0xf5: {  	_ = 	snop;
	(pc) =	sbr.rel @!p1 .LBB2_32-.Ltmp18, $2  }
0xf6: {  	_ =	sdelay $0x2  }
0xf7: {  	[tilespmem:v1+s17+$0x0] =	vst.idx.msk $0xffff, v2  }
0xf8: {  	s20 =	sand.u32 $0xFF0, s20  }
0xf9: {  	v1 =	vld [tilespmem:s20+$0x3F00];
	_ =	sdelay $0x4  }
0xfa: {  	v2 =	vld [tilespmem:s20+$0x8700];
	v1 =	vadd.s32 $0x1B90, v1;
	_ =	sdelay $0x4  }
0xfb: {  	[tilespmem:v1+s15+$0x0] =	vst.idx.msk $0xffff, v2  }
0xfc: {  	v2 =	vld [tilespmem:s20+$0xCF00]  }
0xfd: {  	p1 =	por $0x1, $0x1  }
.Ltmp19:
0xfe: {  	_ = 	snop;
	(pc) =	sbr.rel @!p1 .LBB2_34-.Ltmp19, $3  }
0xff: {  	_ =	sdelay $0x1  }
0x100: {  	s21 =	sadd.s32 $0x3F00, s20;
	[tilespmem:v1+s16+$0x0] =	vst.idx.msk $0xffff, v2  }
0x101: {  	p0 =	por $0x1, $0x1;
	s20 =	simm.s32 $0x20;
	v2 =	vld [tilespmem:s21+$0xD800]  }
.LBB2_35:
0x102: {  	_ =	sdelay $0x2  }
0x103: {  	p1 =	sne.s32 s20, $0x8F0  }
0x104: {  	s21 =	sand.u32 $0xFF0, s19;
	s19 =	smov.u32 s20;
	s20 =	sadd.s32 $0x10, s20;
	[tilespmem:v1+s17+$0x0] =	vst.idx.msk $0xffff, v2  }
0x105: {  	v1 =	vld [tilespmem:s21+$0x3F00];
	_ =	sdelay $0x4  }
0x106: {  	v1 =	vadd.s32 $0x1B90, v1;
	v2 =	vld [tilespmem:s21+$0x8700];
	_ =	sdelay $0x4  }
0x107: {  	[tilespmem:v1+s15+$0x0] =	vst.idx.msk $0xffff, v2  }
0x108: {  	v2 =	vld [tilespmem:s21+$0xCF00];
	_ =	sdelay $0x1  }
.Ltmp20:
0x109: {  	(pc) =	sbr.rel @p1 .LBB2_35-.Ltmp20, $3  }
0x10a: {  	_ =	sdelay $0x1  }
0x10b: {  	s21 =	sadd.s32 $0x3F00, s21;
	[tilespmem:v1+s16+$0x0] =	vst.idx.msk $0xffff, v2  }
0x10c: {  	v2 =	vld [tilespmem:s21+$0xD800]  }
0x10d: {  	s20 =	smov.u32 s19  }
.LBB2_37:
0x10e: {  	_ =	sdelay $0x3  }
0x10f: {  	s19 =	sand.u32 $0xFF0, s20;
	[tilespmem:v1+s17+$0x0] =	vst.idx.msk @p0 $0xffff, v2  }
0x110: {  	v1 =	vld [tilespmem:s19+$0x3F00];
	_ =	sdelay $0x4  }
0x111: {  	v2 =	vld [tilespmem:s19+$0x8700];
	v1 =	vadd.s32 $0x1B90, v1;
	_ =	sdelay $0x4  }
0x112: {  	[tilespmem:v1+s15+$0x0] =	vst.idx.msk $0xffff, v2  }
0x113: {  	v2 =	vld [tilespmem:s19+$0xCF00];
	_ =	sdelay $0x4  }
0x114: {  	s19 =	sadd.s32 $0x3F00, s19;
	[tilespmem:v1+s16+$0x0] =	vst.idx.msk $0xffff, v2  }
0x115: {  	v2 =	vld [tilespmem:s19+$0xD800];
	_ =	sdelay $0x4  }
0x116: {  	[tilespmem:v1+s17+$0x0] =	vst.idx.msk $0xffff, v2  }
0x117: {  	[hbm4b:s7+s2] =	stream.linear.scatter [tilespmem:s15], [sflag:$0x1], $0x1F80, $0x38;
	[tilespmem:$0x17E80] =	vst v63  }
0x118: {  	_ =	swait.ge [sflag:s11], $0x1F80  }
0x119: {  	[sflag:s11] =	ssyncset.done $0x0  }
0x11a: {  	[sflag:s11] =	ssyncadd.s32 $0xFFFFE080  }
0x11b: {  	[hbm4b:s8+s2] =	stream.linear.scatter [tilespmem:s16], [sflag:$0x1], $0x1F80, $0x38;
	[tilespmem:$0x17E80] =	vst v63  }
0x11c: {  	_ =	swait.ge [sflag:s11], $0x1F80  }
0x11d: {  	s18 =	sadd.s32 $0x1, s18;
	[sflag:s11] =	ssyncset.done $0x0  }
0x11e: {  	p0 =	sne.s32 s18, s10;
	[sflag:s11] =	ssyncadd.s32 $0xFFFFE080  }
0x11f: {  	[hbm4b:s9+s2] =	stream.linear.scatter [tilespmem:s17], [sflag:$0x1], $0x1F80, $0x38;
	[tilespmem:$0x17E80] =	vst v63  }
.Ltmp21:
0x120: {  	_ = 	snop;
	(pc) =	sbr.rel @p0 .LBB2_1-.Ltmp21, $4  }
.Ltmp22:
0x121: {  	_ = 	snop;
	(pc) =	sbr.rel @!p0 .LBB2_38-.Ltmp22, $4  }
0x122: {  	_ =	swait.ge [sflag:s11], $0x1F80  }
0x123: {  	[sflag:s11] =	ssyncset.done $0x0  }
0x124: {  	[sflag:s11] =	ssyncadd.s32 $0xFFFFE080  }
0x125: {  	_ = 	snop  }
.LBB2_12:
.Ltmp23:
0x126: {  	(pc) =	sbr.rel .LBB2_17-.Ltmp23, $2  }
0x127: {  	_ =	sdelay $0x2  }
0x128: {  	_ = 	snop  }
.LBB2_22:
.Ltmp24:
0x129: {  	(pc) =	sbr.rel .LBB2_27-.Ltmp24, $2  }
0x12a: {  	_ =	sdelay $0x2  }
0x12b: {  	_ = 	snop  }
.LBB2_32:
.Ltmp25:
0x12c: {  	(pc) =	sbr.rel .LBB2_37-.Ltmp25, $2  }
0x12d: {  	_ =	sdelay $0x2  }
0x12e: {  	_ = 	snop  }
.LBB2_9:
.Ltmp26:
0x12f: {  	(pc) =	sbr.rel .LBB2_11-.Ltmp26, $2  }
0x130: {  	_ =	sdelay $0x2  }
0x131: {  	s21 =	simm.s32 $0x10  }
.LBB2_14:
.Ltmp27:
0x132: {  	(pc) =	sbr.rel .LBB2_17-.Ltmp27, $2  }
0x133: {  	_ =	sdelay $0x2  }
0x134: {  	s20 =	simm.s32 $0x10  }
.LBB2_19:
.Ltmp28:
0x135: {  	(pc) =	sbr.rel .LBB2_21-.Ltmp28, $2  }
0x136: {  	_ =	sdelay $0x2  }
0x137: {  	s21 =	simm.s32 $0x10  }
.LBB2_24:
.Ltmp29:
0x138: {  	(pc) =	sbr.rel .LBB2_27-.Ltmp29, $2  }
0x139: {  	_ =	sdelay $0x2  }
0x13a: {  	s20 =	simm.s32 $0x10  }
.LBB2_29:
.Ltmp30:
0x13b: {  	(pc) =	sbr.rel .LBB2_31-.Ltmp30, $2  }
0x13c: {  	_ =	sdelay $0x2  }
0x13d: {  	s21 =	simm.s32 $0x10  }
.LBB2_34:
.Ltmp31:
0x13e: {  	(pc) =	sbr.rel .LBB2_37-.Ltmp31, $2  }
0x13f: {  	_ =	sdelay $0x2  }
0x140: {  	s20 =	simm.s32 $0x10  }
.LBB2_38:
0x141: {  	_ =	sfence.sel $0x180000  }
0x142: {  	[bflag:$0x0] =	sbarrier.arrive $0xFFFF  }
0x143: {  	p0 =	sne.s32 s0, $0x0;
	_ =	strace $0x90000047  }
0x144: {  	s0 =	sadd.s32 @!p0 $0x100000, s1;
	[bflag:$0x2] =	sbarrier.arrive $0xFFFF  }
0x145: {  	[sflag:s0] =	ssyncadd.tile.s32 @!p0 $0x1;
	_ =	shalt  }
.Lfunc_end2:
_tile_overlayer_lowered:
.L_overlay_start_2:
0x146: {  	(tag) =	ssettag $0x2  }
0x147: {  	s0 =	rddreg [dreg:$0x0];
	s2 =	stileid.u32  }
0x148: {  	s1 =	rddreg [dreg:$0x1];
	p0 =	sne.s32 s2, $0x0  }
0x149: {  	s3 =	rddreg [dreg:$0x2];
	[bflag:$0x3] =	sbarrier.arrive $0xFFFF;
	s2 =	simm.s32 @!p0 $0x1C01  }
0x14a: {  	[timem:s3], [sflag:s2] =	dma.local @!p0 [hbm:s0], s1  }
0x14b: {  	s0 =	simm.s32 @!p0 $0x1  }
0x14c: {  	_ =	swait.ge @!p0 [sflag:s0], s1  }
0x14d: {  	s1 =	ssub.s32 @!p0 $0x0, s1;
	[sflag:s0] =	ssyncset.done @!p0 $0x0  }
0x14e: {  	[sflag:s0] =	ssyncadd.s32 @!p0 s1  }
0x14f: {  	[bflag:$0x3] =	sbarrier.arrive $0xFFFF  }
0x150: {  	_ =	shalt  }

</sc_bundles>
